<compile_context>
chip_gen: v7x
topology: tpu7x:2x2x1
jax: 0.10.2.dev20260603
libtpu: 0.0.44.dev20260713+nightly
codegen_flags: <defaults>
</compile_context>

<pallas_src>
import jax
import jax.numpy as jnp
from jax import lax
from jax.experimental import pallas as pl
from jax.experimental.pallas import tpu as pltpu
from jax.experimental.pallas import tpu_sc as plsc

N = 10000
E = 320000
D = 128
H = 4 * D

NC = 2
NS = 16
NW = NC * NS
EPW = E // NW
K = 40
NCK = EPW // K
NB = 5
NPAD = 10240
RPT = NPAD // NS
DEGW = 16


def _sc_agg_body(z_hbm, src_hbm, dst_hbm, zagg_hbm,
                 agg_out, src_v, dst_v, rows_v, agg_sh, sem_g, sem_s):
    cid = lax.axis_index("c")
    sid = lax.axis_index("s")
    wid = cid * NS + sid
    r0 = sid * RPT
    stage = [
        pltpu.async_copy(src_hbm.at[wid], src_v, sem_g),
        pltpu.async_copy(dst_hbm.at[wid], dst_v, sem_g),
        pltpu.async_copy(zagg_hbm.at[pl.ds(r0, RPT)],
                         agg_sh.at[pl.ds(r0, RPT)], sem_s),
    ]
    for cp in stage:
        cp.wait()
    plsc.subcore_barrier()

    @pl.loop(0, NCK // NB)
    def _(jo):
        j0 = jo * NB
        gcps = [
            pltpu.async_copy(z_hbm.at[src_v.at[j0 + b]], rows_v.at[b], sem_g)
            for b in range(NB)
        ]
        for cp in gcps:
            cp.wait()
        scps = [
            pltpu.async_copy(rows_v.at[b], agg_sh.at[dst_v.at[j0 + b]],
                             sem_s, add=True)
            for b in range(NB)
        ]
        for cp in scps:
            cp.wait()

    plsc.subcore_barrier()
    pltpu.sync_copy(agg_sh.at[pl.ds(r0, RPT)], agg_out.at[cid, pl.ds(r0, RPT)])


_sc_aggregate = pl.kernel(
    _sc_agg_body,
    out_type=jax.ShapeDtypeStruct((NC, NPAD, D), jnp.float32),
    mesh=plsc.VectorSubcoreMesh(
        core_axis_name="c", subcore_axis_name="s",
        num_cores=NC, num_subcores=NS),
    scratch_types=(
        pltpu.VMEM((NCK, K), jnp.int32),
        pltpu.VMEM((NCK, K), jnp.int32),
        pltpu.VMEM((NB, K, D), jnp.float32),
        pltpu.VMEM_SHARED((NPAD, D), jnp.float32),
        pltpu.SemaphoreType.DMA,
        pltpu.SemaphoreType.DMA,
    ),
    compiler_params=pltpu.CompilerParams(use_tc_tiling_on_sc=False),
)


def _sc_deg_body(dst_hbm, zdeg_hbm, ones_hbm,
                 deg_out, dst_v, ones_v, deg_sh, sem_d, sem_s):
    cid = lax.axis_index("c")
    sid = lax.axis_index("s")
    wid = cid * NS + sid
    r0 = sid * RPT
    stage = [
        pltpu.async_copy(dst_hbm.at[wid], dst_v, sem_d),
        pltpu.async_copy(ones_hbm, ones_v, sem_d),
        pltpu.async_copy(zdeg_hbm.at[pl.ds(r0, RPT)],
                         deg_sh.at[pl.ds(r0, RPT)], sem_s),
    ]
    for cp in stage:
        cp.wait()
    plsc.subcore_barrier()

    @pl.loop(0, NCK // NB)
    def _(jo):
        j0 = jo * NB
        dcps = [
            pltpu.async_copy(ones_v, deg_sh.at[dst_v.at[j0 + b]],
                             sem_s, add=True)
            for b in range(NB)
        ]
        for cp in dcps:
            cp.wait()

    plsc.subcore_barrier()
    pltpu.sync_copy(deg_sh.at[pl.ds(r0, RPT)], deg_out.at[cid, pl.ds(r0, RPT)])


_sc_degree = pl.kernel(
    _sc_deg_body,
    out_type=jax.ShapeDtypeStruct((NC, NPAD, DEGW), jnp.float32),
    mesh=plsc.VectorSubcoreMesh(
        core_axis_name="c", subcore_axis_name="s",
        num_cores=NC, num_subcores=NS),
    scratch_types=(
        pltpu.VMEM((NCK, K), jnp.int32),
        pltpu.VMEM((K, DEGW), jnp.float32),
        pltpu.VMEM_SHARED((NPAD, DEGW), jnp.float32),
        pltpu.SemaphoreType.DMA,
        pltpu.SemaphoreType.DMA,
    ),
    compiler_params=pltpu.CompilerParams(use_tc_tiling_on_sc=False),
)


def _tc_body(z_ref, agg_ref, deg_ref, ws_ref, wn_ref, bg_ref,
             w1_ref, b1_ref, w2_ref, b2_ref, w3_ref, b3_ref, out_ref):
    agg = agg_ref[0] + agg_ref[1]
    deg = deg_ref[0, :, 0:1] + deg_ref[1, :, 0:1]
    mean = agg / jnp.maximum(deg, 1.0)
    f32 = jnp.float32
    h = (jnp.dot(z_ref[...], ws_ref[...], preferred_element_type=f32)
         + jnp.dot(mean, wn_ref[...], preferred_element_type=f32)
         + bg_ref[...])
    h = jnp.tanh(jnp.dot(h, w1_ref[...], preferred_element_type=f32)
                 + b1_ref[...])
    h = jnp.tanh(jnp.dot(h, w2_ref[...], preferred_element_type=f32)
                 + b2_ref[...])
    out_ref[...] = (jnp.dot(h, w3_ref[...], preferred_element_type=f32)
                    + b3_ref[...])


BR = 1000


def _tc_mlp(z, agg, deg, W_self, W_neigh, b_gnn, W1, b1, W2, b2, W3, b3):
    full = lambda s: pl.BlockSpec(s, lambda i: (0,) * len(s))
    return pl.pallas_call(
        _tc_body,
        grid=(N // BR,),
        in_specs=[
            pl.BlockSpec((BR, D), lambda i: (i, 0)),
            pl.BlockSpec((NC, BR, D), lambda i: (0, i, 0)),
            pl.BlockSpec((NC, BR, DEGW), lambda i: (0, i, 0)),
            full((D, D)), full((D, D)), full((1, D)),
            full((D, H)), full((1, H)),
            full((H, H)), full((1, H)),
            full((H, D)), full((1, D)),
        ],
        out_specs=pl.BlockSpec((BR, D), lambda i: (i, 0)),
        out_shape=jax.ShapeDtypeStruct((N, D), jnp.float32),
    )(z, agg, deg, W_self, W_neigh, b_gnn.reshape(1, D),
      W1, b1.reshape(1, H), W2, b2.reshape(1, H), W3, b3.reshape(1, D))


def kernel(t, z, edge_index, W_self, W_neigh, b_gnn, W1, b1, W2, b2, W3, b3):
    src = edge_index[0].reshape(NW, NCK, K)
    dst = edge_index[1].reshape(NW, NCK, K)
    zagg = jnp.zeros((NPAD, D), jnp.float32)
    zdeg = jnp.zeros((NPAD, DEGW), jnp.float32)
    ones = jnp.ones((K, DEGW), jnp.float32)
    agg = _sc_aggregate(z, src, dst, zagg)
    deg = _sc_degree(dst, zdeg, ones)
    return _tc_mlp(z, agg, deg, W_self, W_neigh, b_gnn,
                   W1, b1, W2, b2, W3, b3)

# --- scband reference (transcript-rebuilt; emitter-appended) ---
"""Pipeline reference for scband-gdefunc-47536698032170 (READ-ONLY COPY).

The authoritative reference and input builder live on the scoring server;
editing this copy changes nothing except your own understanding.
"""

import jax, jax.numpy as jnp
import numpy as np

N = 10000
E = 320000
D = 128
H = 4 * D  # 512


def setup_inputs(seed: int = 0) -> dict:
    key = jax.random.key(seed)
    ks = jax.random.split(key, 12)
    t = jnp.zeros((), dtype=jnp.float32)
    z = jax.random.normal(ks[0], (N, D), dtype=jnp.float32)
    edge_index = jax.random.randint(ks[1], (2, E), 0, N, dtype=jnp.int32)
    # GNN (GraphConv-style) parameters: out = z @ W_self + mean_agg(z) @ W_neigh + b_gnn
    W_self = jax.random.normal(ks[2], (D, D), dtype=jnp.float32) / np.sqrt(D)
    W_neigh = jax.random.normal(ks[3], (D, D), dtype=jnp.float32) / np.sqrt(D)
    b_gnn = jnp.zeros((D,), dtype=jnp.float32)
    # MLP: Linear(D,4D) -> Tanh -> Linear(4D,4D) -> Tanh -> Linear(4D,D)
    W1 = jax.random.normal(ks[4], (D, H), dtype=jnp.float32) / np.sqrt(D)
    b1 = jnp.zeros((H,), dtype=jnp.float32)
    W2 = jax.random.normal(ks[5], (H, H), dtype=jnp.float32) / np.sqrt(H)
    b2 = jnp.zeros((H,), dtype=jnp.float32)
    W3 = jax.random.normal(ks[6], (H, D), dtype=jnp.float32) / np.sqrt(H)
    b3 = jnp.zeros((D,), dtype=jnp.float32)
    return {"t": t, "z": z, "edge_index": edge_index,
            "W_self": W_self, "W_neigh": W_neigh, "b_gnn": b_gnn,
            "W1": W1, "b1": b1, "W2": W2, "b2": b2, "W3": W3, "b3": b3}


def reference(t, z, edge_index, W_self, W_neigh, b_gnn, W1, b1, W2, b2, W3, b3):
    # dz/dt = MLP(GNN(z, edge_index)); t is ignored (autonomous ODE)
    src = edge_index[0]
    dst = edge_index[1]
    # gather messages from source nodes
    msgs = jnp.take(z, src, axis=0)                      # (E, D) gather
    agg = jax.ops.segment_sum(msgs, dst, num_segments=N)  # (N, D) scatter-add
    deg = jax.ops.segment_sum(jnp.ones((E,), jnp.float32), dst, num_segments=N)
    deg = jnp.maximum(deg, 1.0)
    mean_agg = agg / deg[:, None]
    h = z @ W_self + mean_agg @ W_neigh + b_gnn          # GNN output (N, D)
    # MLP with Tanh activations
    h = jnp.tanh(h @ W1 + b1)
    h = jnp.tanh(h @ W2 + b2)
    dzdt = h @ W3 + b3
    return dzdt

if __name__ == "__main__":
    import jax
    _d = setup_inputs()
    print(jax.jit(kernel)(*tuple(_d.values())))

</pallas_src>

<mosaic_0001>
#map = affine_map<(d0, d1) -> (0, 0)>
#map1 = affine_map<(d0, d1) -> (0, 0, 0)>
module attributes {stable_mosaic.version = 14 : i64} {
  func.func @_sc_agg_body(%arg0: i32, %arg1: i32, %arg2: memref<10000x128xf32, #tpu.memory_space<hbm>>, %arg3: memref<32x250x40xi32, #tpu.memory_space<hbm>>, %arg4: memref<32x250x40xi32, #tpu.memory_space<hbm>>, %arg5: memref<10240x128xf32, #tpu.memory_space<hbm>>, %arg6: memref<2x10240x128xf32, #tpu.memory_space<hbm>>, %arg7: memref<250x40xi32, #tpu.memory_space<vmem>>, %arg8: memref<250x40xi32, #tpu.memory_space<vmem>>, %arg9: memref<5x40x128xf32, #tpu.memory_space<vmem>>, %arg10: memref<10240x128xf32, #tpu.memory_space<vmem_shared>>, %arg11: memref<!tpu.dma_semaphore, #tpu.memory_space<semaphore_mem>>, %arg12: memref<!tpu.dma_semaphore, #tpu.memory_space<semaphore_mem>>) attributes {dimension_semantics = [#tpu.dimension_semantics<core_parallel>, #tpu.dimension_semantics<subcore_parallel>], iteration_bounds = array<i64: 2, 16>, scalar_prefetch = 0 : i64, scratch_operands = 6 : i64, tpu.core_type = #tpu.core_type<sc_vector_subcore>, window_params = [{transform_indices = #map}, {transform_indices = #map1}, {transform_indices = #map1}, {transform_indices = #map}, {transform_indices = #map1}]} {
    %mul3A = arith.constant 16 : i32
    %mul3A_0 = arith.muli %arg0, %mul3A : i32
    %add3A = arith.addi %mul3A_0, %arg1 : i32
    %mul3A_1 = arith.constant 640 : i32
    %mul3A_2 = arith.muli %arg1, %mul3A_1 : i32
    %dma_start3A = arith.constant 0 : i32
    %dma_start3A_3 = arith.constant 0 : i32
    %dma_start3A_4 = tpu.memref_slice %arg3[%add3A, %dma_start3A, %dma_start3A_3] : memref<32x250x40xi32, #tpu.memory_space<hbm>> -> memref<1x250x40xi32, #tpu.memory_space<hbm>>
    %dma_start3A_5 = tpu.memref_squeeze %dma_start3A_4 : memref<1x250x40xi32, #tpu.memory_space<hbm>> -> memref<250x40xi32, #tpu.memory_space<hbm>>
    %dma_start3A_6 = arith.constant 0 : i32
    %dma_start3A_7 = arith.constant 0 : i32
    %dma_start3A_8 = tpu.memref_slice %arg3[%add3A, %dma_start3A_6, %dma_start3A_7] : memref<32x250x40xi32, #tpu.memory_space<hbm>> -> memref<1x250x40xi32, #tpu.memory_space<hbm>>
    %dma_start3A_9 = tpu.memref_squeeze %dma_start3A_8 : memref<1x250x40xi32, #tpu.memory_space<hbm>> -> memref<250x40xi32, #tpu.memory_space<hbm>>
    tpu.enqueue_dma source(%dma_start3A_9 : memref<250x40xi32, #tpu.memory_space<hbm>>) target(%arg7 : memref<250x40xi32, #tpu.memory_space<vmem>>) target_semaphore(%arg11 : memref<!tpu.dma_semaphore, #tpu.memory_space<semaphore_mem>>)
    %dma_start3A_10 = arith.constant 0 : i32
    %dma_start3A_11 = arith.constant 0 : i32
    %dma_start3A_12 = tpu.memref_slice %arg4[%add3A, %dma_start3A_10, %dma_start3A_11] : memref<32x250x40xi32, #tpu.memory_space<hbm>> -> memref<1x250x40xi32, #tpu.memory_space<hbm>>
    %dma_start3A_13 = tpu.memref_squeeze %dma_start3A_12 : memref<1x250x40xi32, #tpu.memory_space<hbm>> -> memref<250x40xi32, #tpu.memory_space<hbm>>
    %dma_start3A_14 = arith.constant 0 : i32
    %dma_start3A_15 = arith.constant 0 : i32
    %dma_start3A_16 = tpu.memref_slice %arg4[%add3A, %dma_start3A_14, %dma_start3A_15] : memref<32x250x40xi32, #tpu.memory_space<hbm>> -> memref<1x250x40xi32, #tpu.memory_space<hbm>>
    %dma_start3A_17 = tpu.memref_squeeze %dma_start3A_16 : memref<1x250x40xi32, #tpu.memory_space<hbm>> -> memref<250x40xi32, #tpu.memory_space<hbm>>
    tpu.enqueue_dma source(%dma_start3A_17 : memref<250x40xi32, #tpu.memory_space<hbm>>) target(%arg8 : memref<250x40xi32, #tpu.memory_space<vmem>>) target_semaphore(%arg11 : memref<!tpu.dma_semaphore, #tpu.memory_space<semaphore_mem>>)
    %dma_start3A_18 = arith.constant 0 : i32
    %dma_start3A_19 = tpu.memref_slice %arg10[%mul3A_2, %dma_start3A_18] : memref<10240x128xf32, #tpu.memory_space<vmem_shared>> -> memref<640x128xf32, #tpu.memory_space<vmem_shared>>
    %dma_start3A_20 = arith.constant 0 : i32
    %dma_start3A_21 = tpu.memref_slice %arg5[%mul3A_2, %dma_start3A_20] : memref<10240x128xf32, #tpu.memory_space<hbm>> -> memref<640x128xf32, #tpu.memory_space<hbm>>
    tpu.enqueue_dma source(%dma_start3A_21 : memref<640x128xf32, #tpu.memory_space<hbm>>) target(%dma_start3A_19 : memref<640x128xf32, #tpu.memory_space<vmem_shared>>) target_semaphore(%arg12 : memref<!tpu.dma_semaphore, #tpu.memory_space<semaphore_mem>>)
    %dma_wait3A = arith.constant 0 : i32
    %dma_wait3A_22 = arith.constant 0 : i32
    %dma_wait3A_23 = tpu.memref_slice %arg3[%add3A, %dma_wait3A, %dma_wait3A_22] : memref<32x250x40xi32, #tpu.memory_space<hbm>> -> memref<1x250x40xi32, #tpu.memory_space<hbm>>
    %dma_wait3A_24 = tpu.memref_squeeze %dma_wait3A_23 : memref<1x250x40xi32, #tpu.memory_space<hbm>> -> memref<250x40xi32, #tpu.memory_space<hbm>>
    %dma_wait3A_25 = arith.constant 0 : i32
    %dma_wait3A_26 = arith.constant 0 : i32
    %dma_wait3A_27 = tpu.memref_slice %arg3[%add3A, %dma_wait3A_25, %dma_wait3A_26] : memref<32x250x40xi32, #tpu.memory_space<hbm>> -> memref<1x250x40xi32, #tpu.memory_space<hbm>>
    %dma_wait3A_28 = tpu.memref_squeeze %dma_wait3A_27 : memref<1x250x40xi32, #tpu.memory_space<hbm>> -> memref<250x40xi32, #tpu.memory_space<hbm>>
    tpu.wait_dma2 semaphore(%arg11 : memref<!tpu.dma_semaphore, #tpu.memory_space<semaphore_mem>>) src(%dma_wait3A_28 : memref<250x40xi32, #tpu.memory_space<hbm>>) dst(%arg7 : memref<250x40xi32, #tpu.memory_space<vmem>>)
    %dma_wait3A_29 = arith.constant 0 : i32
    %dma_wait3A_30 = arith.constant 0 : i32
    %dma_wait3A_31 = tpu.memref_slice %arg4[%add3A, %dma_wait3A_29, %dma_wait3A_30] : memref<32x250x40xi32, #tpu.memory_space<hbm>> -> memref<1x250x40xi32, #tpu.memory_space<hbm>>
    %dma_wait3A_32 = tpu.memref_squeeze %dma_wait3A_31 : memref<1x250x40xi32, #tpu.memory_space<hbm>> -> memref<250x40xi32, #tpu.memory_space<hbm>>
    %dma_wait3A_33 = arith.constant 0 : i32
    %dma_wait3A_34 = arith.constant 0 : i32
    %dma_wait3A_35 = tpu.memref_slice %arg4[%add3A, %dma_wait3A_33, %dma_wait3A_34] : memref<32x250x40xi32, #tpu.memory_space<hbm>> -> memref<1x250x40xi32, #tpu.memory_space<hbm>>
    %dma_wait3A_36 = tpu.memref_squeeze %dma_wait3A_35 : memref<1x250x40xi32, #tpu.memory_space<hbm>> -> memref<250x40xi32, #tpu.memory_space<hbm>>
    tpu.wait_dma2 semaphore(%arg11 : memref<!tpu.dma_semaphore, #tpu.memory_space<semaphore_mem>>) src(%dma_wait3A_36 : memref<250x40xi32, #tpu.memory_space<hbm>>) dst(%arg8 : memref<250x40xi32, #tpu.memory_space<vmem>>)
    %dma_wait3A_37 = arith.constant 0 : i32
    %dma_wait3A_38 = tpu.memref_slice %arg10[%mul3A_2, %dma_wait3A_37] : memref<10240x128xf32, #tpu.memory_space<vmem_shared>> -> memref<640x128xf32, #tpu.memory_space<vmem_shared>>
    %dma_wait3A_39 = arith.constant 0 : i32
    %dma_wait3A_40 = tpu.memref_slice %arg5[%mul3A_2, %dma_wait3A_39] : memref<10240x128xf32, #tpu.memory_space<hbm>> -> memref<640x128xf32, #tpu.memory_space<hbm>>
    tpu.wait_dma2 semaphore(%arg12 : memref<!tpu.dma_semaphore, #tpu.memory_space<semaphore_mem>>) src(%dma_wait3A_40 : memref<640x128xf32, #tpu.memory_space<hbm>>) dst(%dma_wait3A_38 : memref<640x128xf32, #tpu.memory_space<vmem_shared>>)
    %barrier3A = arith.constant 0 : index
    tpu.barrier barrier_id(%barrier3A)
    %scan3A = arith.constant 0 : i32
    %scan3A_41 = arith.constant 50 : i32
    %scan3A_42 = arith.addi %scan3A, %scan3A_41 : i32
    %scan3A_43 = arith.constant 1 : i32
    scf.for %scan3A_46 = %scan3A to %scan3A_42 step %scan3A_43  : i32 {
      %mul3A_47 = arith.constant 1 : i32
      %mul3A_48 = arith.muli %scan3A_46, %mul3A_47 : i32
      %add3A_49 = arith.constant 0 : i32
      %add3A_50 = arith.addi %add3A_49, %mul3A_48 : i32
      %mul3A_51 = arith.constant 5 : i32
      %mul3A_52 = arith.muli %add3A_50, %mul3A_51 : i32
      %add3A_53 = arith.constant 0 : i32
      %add3A_54 = arith.addi %mul3A_52, %add3A_53 : i32
      %dma_start3A_55 = arith.constant 0 : i32
      %dma_start3A_56 = arith.constant 0 : i32
      %dma_start3A_57 = arith.constant 0 : i32
      %dma_start3A_58 = tpu.memref_slice %arg9[%dma_start3A_55, %dma_start3A_56, %dma_start3A_57] : memref<5x40x128xf32, #tpu.memory_space<vmem>> -> memref<1x40x128xf32, #tpu.memory_space<vmem>>
      %dma_start3A_59 = tpu.memref_squeeze %dma_start3A_58 : memref<1x40x128xf32, #tpu.memory_space<vmem>> -> memref<40x128xf32, #tpu.memory_space<vmem>>
      %dma_start3A_60 = arith.constant 0 : i32
      %dma_start3A_61 = tpu.memref_slice %arg7[%add3A_54, %dma_start3A_60] : memref<250x40xi32, #tpu.memory_space<vmem>> -> memref<1x40xi32, #tpu.memory_space<vmem>>
      %dma_start3A_62 = tpu.memref_squeeze %dma_start3A_61 : memref<1x40xi32, #tpu.memory_space<vmem>> -> memref<40xi32, #tpu.memory_space<vmem>>
      %dma_start3A_63 = arith.constant 0 : i32
      %dma_start3A_64 = arith.constant 0 : i32
      %dma_start3A_65 = tpu.memref_slice %arg2[%dma_start3A_63, %dma_start3A_64] : memref<10000x128xf32, #tpu.memory_space<hbm>> -> memref<10000x128xf32, #tpu.memory_space<hbm>>
      tpu.enqueue_indirect_dma source(%dma_start3A_65 : memref<10000x128xf32, #tpu.memory_space<hbm>>) target(%dma_start3A_59 : memref<40x128xf32, #tpu.memory_space<vmem>>) offsets(%dma_start3A_62 : memref<40xi32, #tpu.memory_space<vmem>>) semaphore(%arg11 : memref<!tpu.dma_semaphore, #tpu.memory_space<semaphore_mem>>)
      %add3A_66 = arith.constant 1 : i32
      %add3A_67 = arith.addi %mul3A_52, %add3A_66 : i32
      %dma_start3A_68 = arith.constant 1 : i32
      %dma_start3A_69 = arith.constant 0 : i32
      %dma_start3A_70 = arith.constant 0 : i32
      %dma_start3A_71 = tpu.memref_slice %arg9[%dma_start3A_68, %dma_start3A_69, %dma_start3A_70] : memref<5x40x128xf32, #tpu.memory_space<vmem>> -> memref<1x40x128xf32, #tpu.memory_space<vmem>>
      %dma_start3A_72 = tpu.memref_squeeze %dma_start3A_71 : memref<1x40x128xf32, #tpu.memory_space<vmem>> -> memref<40x128xf32, #tpu.memory_space<vmem>>
      %dma_start3A_73 = arith.constant 0 : i32
      %dma_start3A_74 = tpu.memref_slice %arg7[%add3A_67, %dma_start3A_73] : memref<250x40xi32, #tpu.memory_space<vmem>> -> memref<1x40xi32, #tpu.memory_space<vmem>>
      %dma_start3A_75 = tpu.memref_squeeze %dma_start3A_74 : memref<1x40xi32, #tpu.memory_space<vmem>> -> memref<40xi32, #tpu.memory_space<vmem>>
      %dma_start3A_76 = arith.constant 0 : i32
      %dma_start3A_77 = arith.constant 0 : i32
      %dma_start3A_78 = tpu.memref_slice %arg2[%dma_start3A_76, %dma_start3A_77] : memref<10000x128xf32, #tpu.memory_space<hbm>> -> memref<10000x128xf32, #tpu.memory_space<hbm>>
      tpu.enqueue_indirect_dma source(%dma_start3A_78 : memref<10000x128xf32, #tpu.memory_space<hbm>>) target(%dma_start3A_72 : memref<40x128xf32, #tpu.memory_space<vmem>>) offsets(%dma_start3A_75 : memref<40xi32, #tpu.memory_space<vmem>>) semaphore(%arg11 : memref<!tpu.dma_semaphore, #tpu.memory_space<semaphore_mem>>)
      %add3A_79 = arith.constant 2 : i32
      %add3A_80 = arith.addi %mul3A_52, %add3A_79 : i32
      %dma_start3A_81 = arith.constant 2 : i32
      %dma_start3A_82 = arith.constant 0 : i32
      %dma_start3A_83 = arith.constant 0 : i32
      %dma_start3A_84 = tpu.memref_slice %arg9[%dma_start3A_81, %dma_start3A_82, %dma_start3A_83] : memref<5x40x128xf32, #tpu.memory_space<vmem>> -> memref<1x40x128xf32, #tpu.memory_space<vmem>>
      %dma_start3A_85 = tpu.memref_squeeze %dma_start3A_84 : memref<1x40x128xf32, #tpu.memory_space<vmem>> -> memref<40x128xf32, #tpu.memory_space<vmem>>
      %dma_start3A_86 = arith.constant 0 : i32
      %dma_start3A_87 = tpu.memref_slice %arg7[%add3A_80, %dma_start3A_86] : memref<250x40xi32, #tpu.memory_space<vmem>> -> memref<1x40xi32, #tpu.memory_space<vmem>>
      %dma_start3A_88 = tpu.memref_squeeze %dma_start3A_87 : memref<1x40xi32, #tpu.memory_space<vmem>> -> memref<40xi32, #tpu.memory_space<vmem>>
      %dma_start3A_89 = arith.constant 0 : i32
      %dma_start3A_90 = arith.constant 0 : i32
      %dma_start3A_91 = tpu.memref_slice %arg2[%dma_start3A_89, %dma_start3A_90] : memref<10000x128xf32, #tpu.memory_space<hbm>> -> memref<10000x128xf32, #tpu.memory_space<hbm>>
      tpu.enqueue_indirect_dma source(%dma_start3A_91 : memref<10000x128xf32, #tpu.memory_space<hbm>>) target(%dma_start3A_85 : memref<40x128xf32, #tpu.memory_space<vmem>>) offsets(%dma_start3A_88 : memref<40xi32, #tpu.memory_space<vmem>>) semaphore(%arg11 : memref<!tpu.dma_semaphore, #tpu.memory_space<semaphore_mem>>)
      %add3A_92 = arith.constant 3 : i32
      %add3A_93 = arith.addi %mul3A_52, %add3A_92 : i32
      %dma_start3A_94 = arith.constant 3 : i32
      %dma_start3A_95 = arith.constant 0 : i32
      %dma_start3A_96 = arith.constant 0 : i32
      %dma_start3A_97 = tpu.memref_slice %arg9[%dma_start3A_94, %dma_start3A_95, %dma_start3A_96] : memref<5x40x128xf32, #tpu.memory_space<vmem>> -> memref<1x40x128xf32, #tpu.memory_space<vmem>>
      %dma_start3A_98 = tpu.memref_squeeze %dma_start3A_97 : memref<1x40x128xf32, #tpu.memory_space<vmem>> -> memref<40x128xf32, #tpu.memory_space<vmem>>
      %dma_start3A_99 = arith.constant 0 : i32
      %dma_start3A_100 = tpu.memref_slice %arg7[%add3A_93, %dma_start3A_99] : memref<250x40xi32, #tpu.memory_space<vmem>> -> memref<1x40xi32, #tpu.memory_space<vmem>>
      %dma_start3A_101 = tpu.memref_squeeze %dma_start3A_100 : memref<1x40xi32, #tpu.memory_space<vmem>> -> memref<40xi32, #tpu.memory_space<vmem>>
      %dma_start3A_102 = arith.constant 0 : i32
      %dma_start3A_103 = arith.constant 0 : i32
      %dma_start3A_104 = tpu.memref_slice %arg2[%dma_start3A_102, %dma_start3A_103] : memref<10000x128xf32, #tpu.memory_space<hbm>> -> memref<10000x128xf32, #tpu.memory_space<hbm>>
      tpu.enqueue_indirect_dma source(%dma_start3A_104 : memref<10000x128xf32, #tpu.memory_space<hbm>>) target(%dma_start3A_98 : memref<40x128xf32, #tpu.memory_space<vmem>>) offsets(%dma_start3A_101 : memref<40xi32, #tpu.memory_space<vmem>>) semaphore(%arg11 : memref<!tpu.dma_semaphore, #tpu.memory_space<semaphore_mem>>)
      %add3A_105 = arith.constant 4 : i32
      %add3A_106 = arith.addi %mul3A_52, %add3A_105 : i32
      %dma_start3A_107 = arith.constant 4 : i32
      %dma_start3A_108 = arith.constant 0 : i32
      %dma_start3A_109 = arith.constant 0 : i32
      %dma_start3A_110 = tpu.memref_slice %arg9[%dma_start3A_107, %dma_start3A_108, %dma_start3A_109] : memref<5x40x128xf32, #tpu.memory_space<vmem>> -> memref<1x40x128xf32, #tpu.memory_space<vmem>>
      %dma_start3A_111 = tpu.memref_squeeze %dma_start3A_110 : memref<1x40x128xf32, #tpu.memory_space<vmem>> -> memref<40x128xf32, #tpu.memory_space<vmem>>
      %dma_start3A_112 = arith.constant 0 : i32
      %dma_start3A_113 = tpu.memref_slice %arg7[%add3A_106, %dma_start3A_112] : memref<250x40xi32, #tpu.memory_space<vmem>> -> memref<1x40xi32, #tpu.memory_space<vmem>>
      %dma_start3A_114 = tpu.memref_squeeze %dma_start3A_113 : memref<1x40xi32, #tpu.memory_space<vmem>> -> memref<40xi32, #tpu.memory_space<vmem>>
      %dma_start3A_115 = arith.constant 0 : i32
      %dma_start3A_116 = arith.constant 0 : i32
      %dma_start3A_117 = tpu.memref_slice %arg2[%dma_start3A_115, %dma_start3A_116] : memref<10000x128xf32, #tpu.memory_space<hbm>> -> memref<10000x128xf32, #tpu.memory_space<hbm>>
      tpu.enqueue_indirect_dma source(%dma_start3A_117 : memref<10000x128xf32, #tpu.memory_space<hbm>>) target(%dma_start3A_111 : memref<40x128xf32, #tpu.memory_space<vmem>>) offsets(%dma_start3A_114 : memref<40xi32, #tpu.memory_space<vmem>>) semaphore(%arg11 : memref<!tpu.dma_semaphore, #tpu.memory_space<semaphore_mem>>)
      %dma_wait3A_118 = arith.constant 0 : i32
      %dma_wait3A_119 = arith.constant 0 : i32
      %dma_wait3A_120 = arith.constant 0 : i32
      %dma_wait3A_121 = tpu.memref_slice %arg9[%dma_wait3A_118, %dma_wait3A_119, %dma_wait3A_120] : memref<5x40x128xf32, #tpu.memory_space<vmem>> -> memref<1x40x128xf32, #tpu.memory_space<vmem>>
      %dma_wait3A_122 = tpu.memref_squeeze %dma_wait3A_121 : memref<1x40x128xf32, #tpu.memory_space<vmem>> -> memref<40x128xf32, #tpu.memory_space<vmem>>
      %dma_wait3A_123 = arith.constant 0 : i32
      %dma_wait3A_124 = tpu.memref_slice %arg7[%add3A_54, %dma_wait3A_123] : memref<250x40xi32, #tpu.memory_space<vmem>> -> memref<1x40xi32, #tpu.memory_space<vmem>>
      %dma_wait3A_125 = tpu.memref_squeeze %dma_wait3A_124 : memref<1x40xi32, #tpu.memory_space<vmem>> -> memref<40xi32, #tpu.memory_space<vmem>>
      %dma_wait3A_126 = arith.constant 0 : i32
      %dma_wait3A_127 = arith.constant 0 : i32
      %dma_wait3A_128 = tpu.memref_slice %arg2[%dma_wait3A_126, %dma_wait3A_127] : memref<10000x128xf32, #tpu.memory_space<hbm>> -> memref<10000x128xf32, #tpu.memory_space<hbm>>
      tpu.wait_indirect_dma semaphore(%arg11 : memref<!tpu.dma_semaphore, #tpu.memory_space<semaphore_mem>>) src(%dma_wait3A_128 : memref<10000x128xf32, #tpu.memory_space<hbm>>) dst(%dma_wait3A_122 : memref<40x128xf32, #tpu.memory_space<vmem>>)
      %dma_wait3A_129 = arith.constant 1 : i32
      %dma_wait3A_130 = arith.constant 0 : i32
      %dma_wait3A_131 = arith.constant 0 : i32
      %dma_wait3A_132 = tpu.memref_slice %arg9[%dma_wait3A_129, %dma_wait3A_130, %dma_wait3A_131] : memref<5x40x128xf32, #tpu.memory_space<vmem>> -> memref<1x40x128xf32, #tpu.memory_space<vmem>>
      %dma_wait3A_133 = tpu.memref_squeeze %dma_wait3A_132 : memref<1x40x128xf32, #tpu.memory_space<vmem>> -> memref<40x128xf32, #tpu.memory_space<vmem>>
      %dma_wait3A_134 = arith.constant 0 : i32
      %dma_wait3A_135 = tpu.memref_slice %arg7[%add3A_67, %dma_wait3A_134] : memref<250x40xi32, #tpu.memory_space<vmem>> -> memref<1x40xi32, #tpu.memory_space<vmem>>
      %dma_wait3A_136 = tpu.memref_squeeze %dma_wait3A_135 : memref<1x40xi32, #tpu.memory_space<vmem>> -> memref<40xi32, #tpu.memory_space<vmem>>
      %dma_wait3A_137 = arith.constant 0 : i32
      %dma_wait3A_138 = arith.constant 0 : i32
      %dma_wait3A_139 = tpu.memref_slice %arg2[%dma_wait3A_137, %dma_wait3A_138] : memref<10000x128xf32, #tpu.memory_space<hbm>> -> memref<10000x128xf32, #tpu.memory_space<hbm>>
      tpu.wait_indirect_dma semaphore(%arg11 : memref<!tpu.dma_semaphore, #tpu.memory_space<semaphore_mem>>) src(%dma_wait3A_139 : memref<10000x128xf32, #tpu.memory_space<hbm>>) dst(%dma_wait3A_133 : memref<40x128xf32, #tpu.memory_space<vmem>>)
      %dma_wait3A_140 = arith.constant 2 : i32
      %dma_wait3A_141 = arith.constant 0 : i32
      %dma_wait3A_142 = arith.constant 0 : i32
      %dma_wait3A_143 = tpu.memref_slice %arg9[%dma_wait3A_140, %dma_wait3A_141, %dma_wait3A_142] : memref<5x40x128xf32, #tpu.memory_space<vmem>> -> memref<1x40x128xf32, #tpu.memory_space<vmem>>
      %dma_wait3A_144 = tpu.memref_squeeze %dma_wait3A_143 : memref<1x40x128xf32, #tpu.memory_space<vmem>> -> memref<40x128xf32, #tpu.memory_space<vmem>>
      %dma_wait3A_145 = arith.constant 0 : i32
      %dma_wait3A_146 = tpu.memref_slice %arg7[%add3A_80, %dma_wait3A_145] : memref<250x40xi32, #tpu.memory_space<vmem>> -> memref<1x40xi32, #tpu.memory_space<vmem>>
      %dma_wait3A_147 = tpu.memref_squeeze %dma_wait3A_146 : memref<1x40xi32, #tpu.memory_space<vmem>> -> memref<40xi32, #tpu.memory_space<vmem>>
      %dma_wait3A_148 = arith.constant 0 : i32
      %dma_wait3A_149 = arith.constant 0 : i32
      %dma_wait3A_150 = tpu.memref_slice %arg2[%dma_wait3A_148, %dma_wait3A_149] : memref<10000x128xf32, #tpu.memory_space<hbm>> -> memref<10000x128xf32, #tpu.memory_space<hbm>>
      tpu.wait_indirect_dma semaphore(%arg11 : memref<!tpu.dma_semaphore, #tpu.memory_space<semaphore_mem>>) src(%dma_wait3A_150 : memref<10000x128xf32, #tpu.memory_space<hbm>>) dst(%dma_wait3A_144 : memref<40x128xf32, #tpu.memory_space<vmem>>)
      %dma_wait3A_151 = arith.constant 3 : i32
      %dma_wait3A_152 = arith.constant 0 : i32
      %dma_wait3A_153 = arith.constant 0 : i32
      %dma_wait3A_154 = tpu.memref_slice %arg9[%dma_wait3A_151, %dma_wait3A_152, %dma_wait3A_153] : memref<5x40x128xf32, #tpu.memory_space<vmem>> -> memref<1x40x128xf32, #tpu.memory_space<vmem>>
      %dma_wait3A_155 = tpu.memref_squeeze %dma_wait3A_154 : memref<1x40x128xf32, #tpu.memory_space<vmem>> -> memref<40x128xf32, #tpu.memory_space<vmem>>
      %dma_wait3A_156 = arith.constant 0 : i32
      %dma_wait3A_157 = tpu.memref_slice %arg7[%add3A_93, %dma_wait3A_156] : memref<250x40xi32, #tpu.memory_space<vmem>> -> memref<1x40xi32, #tpu.memory_space<vmem>>
      %dma_wait3A_158 = tpu.memref_squeeze %dma_wait3A_157 : memref<1x40xi32, #tpu.memory_space<vmem>> -> memref<40xi32, #tpu.memory_space<vmem>>
      %dma_wait3A_159 = arith.constant 0 : i32
      %dma_wait3A_160 = arith.constant 0 : i32
      %dma_wait3A_161 = tpu.memref_slice %arg2[%dma_wait3A_159, %dma_wait3A_160] : memref<10000x128xf32, #tpu.memory_space<hbm>> -> memref<10000x128xf32, #tpu.memory_space<hbm>>
      tpu.wait_indirect_dma semaphore(%arg11 : memref<!tpu.dma_semaphore, #tpu.memory_space<semaphore_mem>>) src(%dma_wait3A_161 : memref<10000x128xf32, #tpu.memory_space<hbm>>) dst(%dma_wait3A_155 : memref<40x128xf32, #tpu.memory_space<vmem>>)
      %dma_wait3A_162 = arith.constant 4 : i32
      %dma_wait3A_163 = arith.constant 0 : i32
      %dma_wait3A_164 = arith.constant 0 : i32
      %dma_wait3A_165 = tpu.memref_slice %arg9[%dma_wait3A_162, %dma_wait3A_163, %dma_wait3A_164] : memref<5x40x128xf32, #tpu.memory_space<vmem>> -> memref<1x40x128xf32, #tpu.memory_space<vmem>>
      %dma_wait3A_166 = tpu.memref_squeeze %dma_wait3A_165 : memref<1x40x128xf32, #tpu.memory_space<vmem>> -> memref<40x128xf32, #tpu.memory_space<vmem>>
      %dma_wait3A_167 = arith.constant 0 : i32
      %dma_wait3A_168 = tpu.memref_slice %arg7[%add3A_106, %dma_wait3A_167] : memref<250x40xi32, #tpu.memory_space<vmem>> -> memref<1x40xi32, #tpu.memory_space<vmem>>
      %dma_wait3A_169 = tpu.memref_squeeze %dma_wait3A_168 : memref<1x40xi32, #tpu.memory_space<vmem>> -> memref<40xi32, #tpu.memory_space<vmem>>
      %dma_wait3A_170 = arith.constant 0 : i32
      %dma_wait3A_171 = arith.constant 0 : i32
      %dma_wait3A_172 = tpu.memref_slice %arg2[%dma_wait3A_170, %dma_wait3A_171] : memref<10000x128xf32, #tpu.memory_space<hbm>> -> memref<10000x128xf32, #tpu.memory_space<hbm>>
      tpu.wait_indirect_dma semaphore(%arg11 : memref<!tpu.dma_semaphore, #tpu.memory_space<semaphore_mem>>) src(%dma_wait3A_172 : memref<10000x128xf32, #tpu.memory_space<hbm>>) dst(%dma_wait3A_166 : memref<40x128xf32, #tpu.memory_space<vmem>>)
      %add3A_173 = arith.constant 0 : i32
      %add3A_174 = arith.addi %mul3A_52, %add3A_173 : i32
      %dma_start3A_175 = arith.constant 0 : i32
      %dma_start3A_176 = arith.constant 0 : i32
      %dma_start3A_177 = arith.constant 0 : i32
      %dma_start3A_178 = tpu.memref_slice %arg9[%dma_start3A_175, %dma_start3A_176, %dma_start3A_177] : memref<5x40x128xf32, #tpu.memory_space<vmem>> -> memref<1x40x128xf32, #tpu.memory_space<vmem>>
      %dma_start3A_179 = tpu.memref_squeeze %dma_start3A_178 : memref<1x40x128xf32, #tpu.memory_space<vmem>> -> memref<40x128xf32, #tpu.memory_space<vmem>>
      %dma_start3A_180 = arith.constant 0 : i32
      %dma_start3A_181 = tpu.memref_slice %arg8[%add3A_174, %dma_start3A_180] : memref<250x40xi32, #tpu.memory_space<vmem>> -> memref<1x40xi32, #tpu.memory_space<vmem>>
      %dma_start3A_182 = tpu.memref_squeeze %dma_start3A_181 : memref<1x40xi32, #tpu.memory_space<vmem>> -> memref<40xi32, #tpu.memory_space<vmem>>
      %dma_start3A_183 = arith.constant 0 : i32
      %dma_start3A_184 = arith.constant 0 : i32
      %dma_start3A_185 = tpu.memref_slice %arg10[%dma_start3A_183, %dma_start3A_184] : memref<10240x128xf32, #tpu.memory_space<vmem_shared>> -> memref<10240x128xf32, #tpu.memory_space<vmem_shared>>
      tpu.enqueue_indirect_dma source(%dma_start3A_179 : memref<40x128xf32, #tpu.memory_space<vmem>>) target(%dma_start3A_185 : memref<10240x128xf32, #tpu.memory_space<vmem_shared>>) offsets(%dma_start3A_182 : memref<40xi32, #tpu.memory_space<vmem>>) semaphore(%arg12 : memref<!tpu.dma_semaphore, #tpu.memory_space<semaphore_mem>>) {add = true}
      %add3A_186 = arith.constant 1 : i32
      %add3A_187 = arith.addi %mul3A_52, %add3A_186 : i32
      %dma_start3A_188 = arith.constant 1 : i32
      %dma_start3A_189 = arith.constant 0 : i32
      %dma_start3A_190 = arith.constant 0 : i32
      %dma_start3A_191 = tpu.memref_slice %arg9[%dma_start3A_188, %dma_start3A_189, %dma_start3A_190] : memref<5x40x128xf32, #tpu.memory_space<vmem>> -> memref<1x40x128xf32, #tpu.memory_space<vmem>>
      %dma_start3A_192 = tpu.memref_squeeze %dma_start3A_191 : memref<1x40x128xf32, #tpu.memory_space<vmem>> -> memref<40x128xf32, #tpu.memory_space<vmem>>
      %dma_start3A_193 = arith.constant 0 : i32
      %dma_start3A_194 = tpu.memref_slice %arg8[%add3A_187, %dma_start3A_193] : memref<250x40xi32, #tpu.memory_space<vmem>> -> memref<1x40xi32, #tpu.memory_space<vmem>>
      %dma_start3A_195 = tpu.memref_squeeze %dma_start3A_194 : memref<1x40xi32, #tpu.memory_space<vmem>> -> memref<40xi32, #tpu.memory_space<vmem>>
      %dma_start3A_196 = arith.constant 0 : i32
      %dma_start3A_197 = arith.constant 0 : i32
      %dma_start3A_198 = tpu.memref_slice %arg10[%dma_start3A_196, %dma_start3A_197] : memref<10240x128xf32, #tpu.memory_space<vmem_shared>> -> memref<10240x128xf32, #tpu.memory_space<vmem_shared>>
      tpu.enqueue_indirect_dma source(%dma_start3A_192 : memref<40x128xf32, #tpu.memory_space<vmem>>) target(%dma_start3A_198 : memref<10240x128xf32, #tpu.memory_space<vmem_shared>>) offsets(%dma_start3A_195 : memref<40xi32, #tpu.memory_space<vmem>>) semaphore(%arg12 : memref<!tpu.dma_semaphore, #tpu.memory_space<semaphore_mem>>) {add = true}
      %add3A_199 = arith.constant 2 : i32
      %add3A_200 = arith.addi %mul3A_52, %add3A_199 : i32
      %dma_start3A_201 = arith.constant 2 : i32
      %dma_start3A_202 = arith.constant 0 : i32
      %dma_start3A_203 = arith.constant 0 : i32
      %dma_start3A_204 = tpu.memref_slice %arg9[%dma_start3A_201, %dma_start3A_202, %dma_start3A_203] : memref<5x40x128xf32, #tpu.memory_space<vmem>> -> memref<1x40x128xf32, #tpu.memory_space<vmem>>
      %dma_start3A_205 = tpu.memref_squeeze %dma_start3A_204 : memref<1x40x128xf32, #tpu.memory_space<vmem>> -> memref<40x128xf32, #tpu.memory_space<vmem>>
      %dma_start3A_206 = arith.constant 0 : i32
      %dma_start3A_207 = tpu.memref_slice %arg8[%add3A_200, %dma_start3A_206] : memref<250x40xi32, #tpu.memory_space<vmem>> -> memref<1x40xi32, #tpu.memory_space<vmem>>
      %dma_start3A_208 = tpu.memref_squeeze %dma_start3A_207 : memref<1x40xi32, #tpu.memory_space<vmem>> -> memref<40xi32, #tpu.memory_space<vmem>>
      %dma_start3A_209 = arith.constant 0 : i32
      %dma_start3A_210 = arith.constant 0 : i32
      %dma_start3A_211 = tpu.memref_slice %arg10[%dma_start3A_209, %dma_start3A_210] : memref<10240x128xf32, #tpu.memory_space<vmem_shared>> -> memref<10240x128xf32, #tpu.memory_space<vmem_shared>>
      tpu.enqueue_indirect_dma source(%dma_start3A_205 : memref<40x128xf32, #tpu.memory_space<vmem>>) target(%dma_start3A_211 : memref<10240x128xf32, #tpu.memory_space<vmem_shared>>) offsets(%dma_start3A_208 : memref<40xi32, #tpu.memory_space<vmem>>) semaphore(%arg12 : memref<!tpu.dma_semaphore, #tpu.memory_space<semaphore_mem>>) {add = true}
      %add3A_212 = arith.constant 3 : i32
      %add3A_213 = arith.addi %mul3A_52, %add3A_212 : i32
      %dma_start3A_214 = arith.constant 3 : i32
      %dma_start3A_215 = arith.constant 0 : i32
      %dma_start3A_216 = arith.constant 0 : i32
      %dma_start3A_217 = tpu.memref_slice %arg9[%dma_start3A_214, %dma_start3A_215, %dma_start3A_216] : memref<5x40x128xf32, #tpu.memory_space<vmem>> -> memref<1x40x128xf32, #tpu.memory_space<vmem>>
      %dma_start3A_218 = tpu.memref_squeeze %dma_start3A_217 : memref<1x40x128xf32, #tpu.memory_space<vmem>> -> memref<40x128xf32, #tpu.memory_space<vmem>>
      %dma_start3A_219 = arith.constant 0 : i32
      %dma_start3A_220 = tpu.memref_slice %arg8[%add3A_213, %dma_start3A_219] : memref<250x40xi32, #tpu.memory_space<vmem>> -> memref<1x40xi32, #tpu.memory_space<vmem>>
      %dma_start3A_221 = tpu.memref_squeeze %dma_start3A_220 : memref<1x40xi32, #tpu.memory_space<vmem>> -> memref<40xi32, #tpu.memory_space<vmem>>
      %dma_start3A_222 = arith.constant 0 : i32
      %dma_start3A_223 = arith.constant 0 : i32
      %dma_start3A_224 = tpu.memref_slice %arg10[%dma_start3A_222, %dma_start3A_223] : memref<10240x128xf32, #tpu.memory_space<vmem_shared>> -> memref<10240x128xf32, #tpu.memory_space<vmem_shared>>
      tpu.enqueue_indirect_dma source(%dma_start3A_218 : memref<40x128xf32, #tpu.memory_space<vmem>>) target(%dma_start3A_224 : memref<10240x128xf32, #tpu.memory_space<vmem_shared>>) offsets(%dma_start3A_221 : memref<40xi32, #tpu.memory_space<vmem>>) semaphore(%arg12 : memref<!tpu.dma_semaphore, #tpu.memory_space<semaphore_mem>>) {add = true}
      %add3A_225 = arith.constant 4 : i32
      %add3A_226 = arith.addi %mul3A_52, %add3A_225 : i32
      %dma_start3A_227 = arith.constant 4 : i32
      %dma_start3A_228 = arith.constant 0 : i32
      %dma_start3A_229 = arith.constant 0 : i32
      %dma_start3A_230 = tpu.memref_slice %arg9[%dma_start3A_227, %dma_start3A_228, %dma_start3A_229] : memref<5x40x128xf32, #tpu.memory_space<vmem>> -> memref<1x40x128xf32, #tpu.memory_space<vmem>>
      %dma_start3A_231 = tpu.memref_squeeze %dma_start3A_230 : memref<1x40x128xf32, #tpu.memory_space<vmem>> -> memref<40x128xf32, #tpu.memory_space<vmem>>
      %dma_start3A_232 = arith.constant 0 : i32
      %dma_start3A_233 = tpu.memref_slice %arg8[%add3A_226, %dma_start3A_232] : memref<250x40xi32, #tpu.memory_space<vmem>> -> memref<1x40xi32, #tpu.memory_space<vmem>>
      %dma_start3A_234 = tpu.memref_squeeze %dma_start3A_233 : memref<1x40xi32, #tpu.memory_space<vmem>> -> memref<40xi32, #tpu.memory_space<vmem>>
      %dma_start3A_235 = arith.constant 0 : i32
      %dma_start3A_236 = arith.constant 0 : i32
      %dma_start3A_237 = tpu.memref_slice %arg10[%dma_start3A_235, %dma_start3A_236] : memref<10240x128xf32, #tpu.memory_space<vmem_shared>> -> memref<10240x128xf32, #tpu.memory_space<vmem_shared>>
      tpu.enqueue_indirect_dma source(%dma_start3A_231 : memref<40x128xf32, #tpu.memory_space<vmem>>) target(%dma_start3A_237 : memref<10240x128xf32, #tpu.memory_space<vmem_shared>>) offsets(%dma_start3A_234 : memref<40xi32, #tpu.memory_space<vmem>>) semaphore(%arg12 : memref<!tpu.dma_semaphore, #tpu.memory_space<semaphore_mem>>) {add = true}
      %dma_wait3A_238 = arith.constant 0 : i32
      %dma_wait3A_239 = arith.constant 0 : i32
      %dma_wait3A_240 = arith.constant 0 : i32
      %dma_wait3A_241 = tpu.memref_slice %arg9[%dma_wait3A_238, %dma_wait3A_239, %dma_wait3A_240] : memref<5x40x128xf32, #tpu.memory_space<vmem>> -> memref<1x40x128xf32, #tpu.memory_space<vmem>>
      %dma_wait3A_242 = tpu.memref_squeeze %dma_wait3A_241 : memref<1x40x128xf32, #tpu.memory_space<vmem>> -> memref<40x128xf32, #tpu.memory_space<vmem>>
      %dma_wait3A_243 = arith.constant 0 : i32
      %dma_wait3A_244 = tpu.memref_slice %arg8[%add3A_174, %dma_wait3A_243] : memref<250x40xi32, #tpu.memory_space<vmem>> -> memref<1x40xi32, #tpu.memory_space<vmem>>
      %dma_wait3A_245 = tpu.memref_squeeze %dma_wait3A_244 : memref<1x40xi32, #tpu.memory_space<vmem>> -> memref<40xi32, #tpu.memory_space<vmem>>
      %dma_wait3A_246 = arith.constant 0 : i32
      %dma_wait3A_247 = arith.constant 0 : i32
      %dma_wait3A_248 = tpu.memref_slice %arg10[%dma_wait3A_246, %dma_wait3A_247] : memref<10240x128xf32, #tpu.memory_space<vmem_shared>> -> memref<10240x128xf32, #tpu.memory_space<vmem_shared>>
      tpu.wait_indirect_dma semaphore(%arg12 : memref<!tpu.dma_semaphore, #tpu.memory_space<semaphore_mem>>) src(%dma_wait3A_242 : memref<40x128xf32, #tpu.memory_space<vmem>>) dst(%dma_wait3A_248 : memref<10240x128xf32, #tpu.memory_space<vmem_shared>>)
      %dma_wait3A_249 = arith.constant 1 : i32
      %dma_wait3A_250 = arith.constant 0 : i32
      %dma_wait3A_251 = arith.constant 0 : i32
      %dma_wait3A_252 = tpu.memref_slice %arg9[%dma_wait3A_249, %dma_wait3A_250, %dma_wait3A_251] : memref<5x40x128xf32, #tpu.memory_space<vmem>> -> memref<1x40x128xf32, #tpu.memory_space<vmem>>
      %dma_wait3A_253 = tpu.memref_squeeze %dma_wait3A_252 : memref<1x40x128xf32, #tpu.memory_space<vmem>> -> memref<40x128xf32, #tpu.memory_space<vmem>>
      %dma_wait3A_254 = arith.constant 0 : i32
      %dma_wait3A_255 = tpu.memref_slice %arg8[%add3A_187, %dma_wait3A_254] : memref<250x40xi32, #tpu.memory_space<vmem>> -> memref<1x40xi32, #tpu.memory_space<vmem>>
      %dma_wait3A_256 = tpu.memref_squeeze %dma_wait3A_255 : memref<1x40xi32, #tpu.memory_space<vmem>> -> memref<40xi32, #tpu.memory_space<vmem>>
      %dma_wait3A_257 = arith.constant 0 : i32
      %dma_wait3A_258 = arith.constant 0 : i32
      %dma_wait3A_259 = tpu.memref_slice %arg10[%dma_wait3A_257, %dma_wait3A_258] : memref<10240x128xf32, #tpu.memory_space<vmem_shared>> -> memref<10240x128xf32, #tpu.memory_space<vmem_shared>>
      tpu.wait_indirect_dma semaphore(%arg12 : memref<!tpu.dma_semaphore, #tpu.memory_space<semaphore_mem>>) src(%dma_wait3A_253 : memref<40x128xf32, #tpu.memory_space<vmem>>) dst(%dma_wait3A_259 : memref<10240x128xf32, #tpu.memory_space<vmem_shared>>)
      %dma_wait3A_260 = arith.constant 2 : i32
      %dma_wait3A_261 = arith.constant 0 : i32
      %dma_wait3A_262 = arith.constant 0 : i32
      %dma_wait3A_263 = tpu.memref_slice %arg9[%dma_wait3A_260, %dma_wait3A_261, %dma_wait3A_262] : memref<5x40x128xf32, #tpu.memory_space<vmem>> -> memref<1x40x128xf32, #tpu.memory_space<vmem>>
      %dma_wait3A_264 = tpu.memref_squeeze %dma_wait3A_263 : memref<1x40x128xf32, #tpu.memory_space<vmem>> -> memref<40x128xf32, #tpu.memory_space<vmem>>
      %dma_wait3A_265 = arith.constant 0 : i32
      %dma_wait3A_266 = tpu.memref_slice %arg8[%add3A_200, %dma_wait3A_265] : memref<250x40xi32, #tpu.memory_space<vmem>> -> memref<1x40xi32, #tpu.memory_space<vmem>>
      %dma_wait3A_267 = tpu.memref_squeeze %dma_wait3A_266 : memref<1x40xi32, #tpu.memory_space<vmem>> -> memref<40xi32, #tpu.memory_space<vmem>>
      %dma_wait3A_268 = arith.constant 0 : i32
      %dma_wait3A_269 = arith.constant 0 : i32
      %dma_wait3A_270 = tpu.memref_slice %arg10[%dma_wait3A_268, %dma_wait3A_269] : memref<10240x128xf32, #tpu.memory_space<vmem_shared>> -> memref<10240x128xf32, #tpu.memory_space<vmem_shared>>
      tpu.wait_indirect_dma semaphore(%arg12 : memref<!tpu.dma_semaphore, #tpu.memory_space<semaphore_mem>>) src(%dma_wait3A_264 : memref<40x128xf32, #tpu.memory_space<vmem>>) dst(%dma_wait3A_270 : memref<10240x128xf32, #tpu.memory_space<vmem_shared>>)
      %dma_wait3A_271 = arith.constant 3 : i32
      %dma_wait3A_272 = arith.constant 0 : i32
      %dma_wait3A_273 = arith.constant 0 : i32
      %dma_wait3A_274 = tpu.memref_slice %arg9[%dma_wait3A_271, %dma_wait3A_272, %dma_wait3A_273] : memref<5x40x128xf32, #tpu.memory_space<vmem>> -> memref<1x40x128xf32, #tpu.memory_space<vmem>>
      %dma_wait3A_275 = tpu.memref_squeeze %dma_wait3A_274 : memref<1x40x128xf32, #tpu.memory_space<vmem>> -> memref<40x128xf32, #tpu.memory_space<vmem>>
      %dma_wait3A_276 = arith.constant 0 : i32
      %dma_wait3A_277 = tpu.memref_slice %arg8[%add3A_213, %dma_wait3A_276] : memref<250x40xi32, #tpu.memory_space<vmem>> -> memref<1x40xi32, #tpu.memory_space<vmem>>
      %dma_wait3A_278 = tpu.memref_squeeze %dma_wait3A_277 : memref<1x40xi32, #tpu.memory_space<vmem>> -> memref<40xi32, #tpu.memory_space<vmem>>
      %dma_wait3A_279 = arith.constant 0 : i32
      %dma_wait3A_280 = arith.constant 0 : i32
      %dma_wait3A_281 = tpu.memref_slice %arg10[%dma_wait3A_279, %dma_wait3A_280] : memref<10240x128xf32, #tpu.memory_space<vmem_shared>> -> memref<10240x128xf32, #tpu.memory_space<vmem_shared>>
      tpu.wait_indirect_dma semaphore(%arg12 : memref<!tpu.dma_semaphore, #tpu.memory_space<semaphore_mem>>) src(%dma_wait3A_275 : memref<40x128xf32, #tpu.memory_space<vmem>>) dst(%dma_wait3A_281 : memref<10240x128xf32, #tpu.memory_space<vmem_shared>>)
      %dma_wait3A_282 = arith.constant 4 : i32
      %dma_wait3A_283 = arith.constant 0 : i32
      %dma_wait3A_284 = arith.constant 0 : i32
      %dma_wait3A_285 = tpu.memref_slice %arg9[%dma_wait3A_282, %dma_wait3A_283, %dma_wait3A_284] : memref<5x40x128xf32, #tpu.memory_space<vmem>> -> memref<1x40x128xf32, #tpu.memory_space<vmem>>
      %dma_wait3A_286 = tpu.memref_squeeze %dma_wait3A_285 : memref<1x40x128xf32, #tpu.memory_space<vmem>> -> memref<40x128xf32, #tpu.memory_space<vmem>>
      %dma_wait3A_287 = arith.constant 0 : i32
      %dma_wait3A_288 = tpu.memref_slice %arg8[%add3A_226, %dma_wait3A_287] : memref<250x40xi32, #tpu.memory_space<vmem>> -> memref<1x40xi32, #tpu.memory_space<vmem>>
      %dma_wait3A_289 = tpu.memref_squeeze %dma_wait3A_288 : memref<1x40xi32, #tpu.memory_space<vmem>> -> memref<40xi32, #tpu.memory_space<vmem>>
      %dma_wait3A_290 = arith.constant 0 : i32
      %dma_wait3A_291 = arith.constant 0 : i32
      %dma_wait3A_292 = tpu.memref_slice %arg10[%dma_wait3A_290, %dma_wait3A_291] : memref<10240x128xf32, #tpu.memory_space<vmem_shared>> -> memref<10240x128xf32, #tpu.memory_space<vmem_shared>>
      tpu.wait_indirect_dma semaphore(%arg12 : memref<!tpu.dma_semaphore, #tpu.memory_space<semaphore_mem>>) src(%dma_wait3A_286 : memref<40x128xf32, #tpu.memory_space<vmem>>) dst(%dma_wait3A_292 : memref<10240x128xf32, #tpu.memory_space<vmem_shared>>)
    }
    %scan3A_44 = arith.constant 50 : i32
    %barrier3A_45 = arith.constant 0 : index
    tpu.barrier barrier_id(%barrier3A_45)
    "tpu.region"() ({
      %run_scoped3A = tpu.sem_alloc : memref<!tpu.dma_semaphore, #tpu.memory_space<semaphore_mem>>
      %dma_start3A_46 = arith.constant 0 : i32
      %dma_start3A_47 = tpu.memref_slice %arg6[%arg0, %mul3A_2, %dma_start3A_46] : memref<2x10240x128xf32, #tpu.memory_space<hbm>> -> memref<1x640x128xf32, #tpu.memory_space<hbm>>
      %dma_start3A_48 = tpu.memref_squeeze %dma_start3A_47 : memref<1x640x128xf32, #tpu.memory_space<hbm>> -> memref<640x128xf32, #tpu.memory_space<hbm>>
      %dma_start3A_49 = arith.constant 0 : i32
      %dma_start3A_50 = tpu.memref_slice %arg10[%mul3A_2, %dma_start3A_49] : memref<10240x128xf32, #tpu.memory_space<vmem_shared>> -> memref<640x128xf32, #tpu.memory_space<vmem_shared>>
      tpu.enqueue_dma source(%dma_start3A_50 : memref<640x128xf32, #tpu.memory_space<vmem_shared>>) target(%dma_start3A_48 : memref<640x128xf32, #tpu.memory_space<hbm>>) target_semaphore(%run_scoped3A : memref<!tpu.dma_semaphore, #tpu.memory_space<semaphore_mem>>)
      %dma_wait3A_51 = arith.constant 0 : i32
      %dma_wait3A_52 = tpu.memref_slice %arg6[%arg0, %mul3A_2, %dma_wait3A_51] : memref<2x10240x128xf32, #tpu.memory_space<hbm>> -> memref<1x640x128xf32, #tpu.memory_space<hbm>>
      %dma_wait3A_53 = tpu.memref_squeeze %dma_wait3A_52 : memref<1x640x128xf32, #tpu.memory_space<hbm>> -> memref<640x128xf32, #tpu.memory_space<hbm>>
      %dma_wait3A_54 = arith.constant 0 : i32
      %dma_wait3A_55 = tpu.memref_slice %arg10[%mul3A_2, %dma_wait3A_54] : memref<10240x128xf32, #tpu.memory_space<vmem_shared>> -> memref<640x128xf32, #tpu.memory_space<vmem_shared>>
      tpu.wait_dma2 semaphore(%run_scoped3A : memref<!tpu.dma_semaphore, #tpu.memory_space<semaphore_mem>>) src(%dma_wait3A_55 : memref<640x128xf32, #tpu.memory_space<vmem_shared>>) dst(%dma_wait3A_53 : memref<640x128xf32, #tpu.memory_space<hbm>>)
      tpu.yield
    }) : () -> ()
    return
  }
}

#map = affine_map<(d0, d1) -> (0, 0, 0)>
#map1 = affine_map<(d0, d1) -> (0, 0)>
module attributes {stable_mosaic.version = 14 : i64} {
  func.func @_sc_deg_body(%arg0: i32, %arg1: i32, %arg2: memref<32x250x40xi32, #tpu.memory_space<hbm>>, %arg3: memref<10240x16xf32, #tpu.memory_space<hbm>>, %arg4: memref<40x16xf32, #tpu.memory_space<hbm>>, %arg5: memref<2x10240x16xf32, #tpu.memory_space<hbm>>, %arg6: memref<250x40xi32, #tpu.memory_space<vmem>>, %arg7: memref<40x16xf32, #tpu.memory_space<vmem>>, %arg8: memref<10240x16xf32, #tpu.memory_space<vmem_shared>>, %arg9: memref<!tpu.dma_semaphore, #tpu.memory_space<semaphore_mem>>, %arg10: memref<!tpu.dma_semaphore, #tpu.memory_space<semaphore_mem>>) attributes {dimension_semantics = [#tpu.dimension_semantics<core_parallel>, #tpu.dimension_semantics<subcore_parallel>], iteration_bounds = array<i64: 2, 16>, scalar_prefetch = 0 : i64, scratch_operands = 5 : i64, tpu.core_type = #tpu.core_type<sc_vector_subcore>, window_params = [{transform_indices = #map}, {transform_indices = #map1}, {transform_indices = #map1}, {transform_indices = #map}]} {
    %mul3A = arith.constant 16 : i32
    %mul3A_0 = arith.muli %arg0, %mul3A : i32
    %add3A = arith.addi %mul3A_0, %arg1 : i32
    %mul3A_1 = arith.constant 640 : i32
    %mul3A_2 = arith.muli %arg1, %mul3A_1 : i32
    %dma_start3A = arith.constant 0 : i32
    %dma_start3A_3 = arith.constant 0 : i32
    %dma_start3A_4 = tpu.memref_slice %arg2[%add3A, %dma_start3A, %dma_start3A_3] : memref<32x250x40xi32, #tpu.memory_space<hbm>> -> memref<1x250x40xi32, #tpu.memory_space<hbm>>
    %dma_start3A_5 = tpu.memref_squeeze %dma_start3A_4 : memref<1x250x40xi32, #tpu.memory_space<hbm>> -> memref<250x40xi32, #tpu.memory_space<hbm>>
    %dma_start3A_6 = arith.constant 0 : i32
    %dma_start3A_7 = arith.constant 0 : i32
    %dma_start3A_8 = tpu.memref_slice %arg2[%add3A, %dma_start3A_6, %dma_start3A_7] : memref<32x250x40xi32, #tpu.memory_space<hbm>> -> memref<1x250x40xi32, #tpu.memory_space<hbm>>
    %dma_start3A_9 = tpu.memref_squeeze %dma_start3A_8 : memref<1x250x40xi32, #tpu.memory_space<hbm>> -> memref<250x40xi32, #tpu.memory_space<hbm>>
    tpu.enqueue_dma source(%dma_start3A_9 : memref<250x40xi32, #tpu.memory_space<hbm>>) target(%arg6 : memref<250x40xi32, #tpu.memory_space<vmem>>) target_semaphore(%arg9 : memref<!tpu.dma_semaphore, #tpu.memory_space<semaphore_mem>>)
    tpu.enqueue_dma source(%arg4 : memref<40x16xf32, #tpu.memory_space<hbm>>) target(%arg7 : memref<40x16xf32, #tpu.memory_space<vmem>>) target_semaphore(%arg9 : memref<!tpu.dma_semaphore, #tpu.memory_space<semaphore_mem>>)
    %dma_start3A_10 = arith.constant 0 : i32
    %dma_start3A_11 = tpu.memref_slice %arg8[%mul3A_2, %dma_start3A_10] : memref<10240x16xf32, #tpu.memory_space<vmem_shared>> -> memref<640x16xf32, #tpu.memory_space<vmem_shared>>
    %dma_start3A_12 = arith.constant 0 : i32
    %dma_start3A_13 = tpu.memref_slice %arg3[%mul3A_2, %dma_start3A_12] : memref<10240x16xf32, #tpu.memory_space<hbm>> -> memref<640x16xf32, #tpu.memory_space<hbm>>
    tpu.enqueue_dma source(%dma_start3A_13 : memref<640x16xf32, #tpu.memory_space<hbm>>) target(%dma_start3A_11 : memref<640x16xf32, #tpu.memory_space<vmem_shared>>) target_semaphore(%arg10 : memref<!tpu.dma_semaphore, #tpu.memory_space<semaphore_mem>>)
    %dma_wait3A = arith.constant 0 : i32
    %dma_wait3A_14 = arith.constant 0 : i32
    %dma_wait3A_15 = tpu.memref_slice %arg2[%add3A, %dma_wait3A, %dma_wait3A_14] : memref<32x250x40xi32, #tpu.memory_space<hbm>> -> memref<1x250x40xi32, #tpu.memory_space<hbm>>
    %dma_wait3A_16 = tpu.memref_squeeze %dma_wait3A_15 : memref<1x250x40xi32, #tpu.memory_space<hbm>> -> memref<250x40xi32, #tpu.memory_space<hbm>>
    %dma_wait3A_17 = arith.constant 0 : i32
    %dma_wait3A_18 = arith.constant 0 : i32
    %dma_wait3A_19 = tpu.memref_slice %arg2[%add3A, %dma_wait3A_17, %dma_wait3A_18] : memref<32x250x40xi32, #tpu.memory_space<hbm>> -> memref<1x250x40xi32, #tpu.memory_space<hbm>>
    %dma_wait3A_20 = tpu.memref_squeeze %dma_wait3A_19 : memref<1x250x40xi32, #tpu.memory_space<hbm>> -> memref<250x40xi32, #tpu.memory_space<hbm>>
    tpu.wait_dma2 semaphore(%arg9 : memref<!tpu.dma_semaphore, #tpu.memory_space<semaphore_mem>>) src(%dma_wait3A_20 : memref<250x40xi32, #tpu.memory_space<hbm>>) dst(%arg6 : memref<250x40xi32, #tpu.memory_space<vmem>>)
    tpu.wait_dma2 semaphore(%arg9 : memref<!tpu.dma_semaphore, #tpu.memory_space<semaphore_mem>>) src(%arg4 : memref<40x16xf32, #tpu.memory_space<hbm>>) dst(%arg7 : memref<40x16xf32, #tpu.memory_space<vmem>>)
    %dma_wait3A_21 = arith.constant 0 : i32
    %dma_wait3A_22 = tpu.memref_slice %arg8[%mul3A_2, %dma_wait3A_21] : memref<10240x16xf32, #tpu.memory_space<vmem_shared>> -> memref<640x16xf32, #tpu.memory_space<vmem_shared>>
    %dma_wait3A_23 = arith.constant 0 : i32
    %dma_wait3A_24 = tpu.memref_slice %arg3[%mul3A_2, %dma_wait3A_23] : memref<10240x16xf32, #tpu.memory_space<hbm>> -> memref<640x16xf32, #tpu.memory_space<hbm>>
    tpu.wait_dma2 semaphore(%arg10 : memref<!tpu.dma_semaphore, #tpu.memory_space<semaphore_mem>>) src(%dma_wait3A_24 : memref<640x16xf32, #tpu.memory_space<hbm>>) dst(%dma_wait3A_22 : memref<640x16xf32, #tpu.memory_space<vmem_shared>>)
    %barrier3A = arith.constant 0 : index
    tpu.barrier barrier_id(%barrier3A)
    %scan3A = arith.constant 0 : i32
    %scan3A_25 = arith.constant 50 : i32
    %scan3A_26 = arith.addi %scan3A, %scan3A_25 : i32
    %scan3A_27 = arith.constant 1 : i32
    scf.for %scan3A_30 = %scan3A to %scan3A_26 step %scan3A_27  : i32 {
      %mul3A_31 = arith.constant 1 : i32
      %mul3A_32 = arith.muli %scan3A_30, %mul3A_31 : i32
      %add3A_33 = arith.constant 0 : i32
      %add3A_34 = arith.addi %add3A_33, %mul3A_32 : i32
      %mul3A_35 = arith.constant 5 : i32
      %mul3A_36 = arith.muli %add3A_34, %mul3A_35 : i32
      %add3A_37 = arith.constant 0 : i32
      %add3A_38 = arith.addi %mul3A_36, %add3A_37 : i32
      %dma_start3A_39 = arith.constant 0 : i32
      %dma_start3A_40 = tpu.memref_slice %arg6[%add3A_38, %dma_start3A_39] : memref<250x40xi32, #tpu.memory_space<vmem>> -> memref<1x40xi32, #tpu.memory_space<vmem>>
      %dma_start3A_41 = tpu.memref_squeeze %dma_start3A_40 : memref<1x40xi32, #tpu.memory_space<vmem>> -> memref<40xi32, #tpu.memory_space<vmem>>
      %dma_start3A_42 = arith.constant 0 : i32
      %dma_start3A_43 = arith.constant 0 : i32
      %dma_start3A_44 = tpu.memref_slice %arg8[%dma_start3A_42, %dma_start3A_43] : memref<10240x16xf32, #tpu.memory_space<vmem_shared>> -> memref<10240x16xf32, #tpu.memory_space<vmem_shared>>
      tpu.enqueue_indirect_dma source(%arg7 : memref<40x16xf32, #tpu.memory_space<vmem>>) target(%dma_start3A_44 : memref<10240x16xf32, #tpu.memory_space<vmem_shared>>) offsets(%dma_start3A_41 : memref<40xi32, #tpu.memory_space<vmem>>) semaphore(%arg10 : memref<!tpu.dma_semaphore, #tpu.memory_space<semaphore_mem>>) {add = true}
      %add3A_45 = arith.constant 1 : i32
      %add3A_46 = arith.addi %mul3A_36, %add3A_45 : i32
      %dma_start3A_47 = arith.constant 0 : i32
      %dma_start3A_48 = tpu.memref_slice %arg6[%add3A_46, %dma_start3A_47] : memref<250x40xi32, #tpu.memory_space<vmem>> -> memref<1x40xi32, #tpu.memory_space<vmem>>
      %dma_start3A_49 = tpu.memref_squeeze %dma_start3A_48 : memref<1x40xi32, #tpu.memory_space<vmem>> -> memref<40xi32, #tpu.memory_space<vmem>>
      %dma_start3A_50 = arith.constant 0 : i32
      %dma_start3A_51 = arith.constant 0 : i32
      %dma_start3A_52 = tpu.memref_slice %arg8[%dma_start3A_50, %dma_start3A_51] : memref<10240x16xf32, #tpu.memory_space<vmem_shared>> -> memref<10240x16xf32, #tpu.memory_space<vmem_shared>>
      tpu.enqueue_indirect_dma source(%arg7 : memref<40x16xf32, #tpu.memory_space<vmem>>) target(%dma_start3A_52 : memref<10240x16xf32, #tpu.memory_space<vmem_shared>>) offsets(%dma_start3A_49 : memref<40xi32, #tpu.memory_space<vmem>>) semaphore(%arg10 : memref<!tpu.dma_semaphore, #tpu.memory_space<semaphore_mem>>) {add = true}
      %add3A_53 = arith.constant 2 : i32
      %add3A_54 = arith.addi %mul3A_36, %add3A_53 : i32
      %dma_start3A_55 = arith.constant 0 : i32
      %dma_start3A_56 = tpu.memref_slice %arg6[%add3A_54, %dma_start3A_55] : memref<250x40xi32, #tpu.memory_space<vmem>> -> memref<1x40xi32, #tpu.memory_space<vmem>>
      %dma_start3A_57 = tpu.memref_squeeze %dma_start3A_56 : memref<1x40xi32, #tpu.memory_space<vmem>> -> memref<40xi32, #tpu.memory_space<vmem>>
      %dma_start3A_58 = arith.constant 0 : i32
      %dma_start3A_59 = arith.constant 0 : i32
      %dma_start3A_60 = tpu.memref_slice %arg8[%dma_start3A_58, %dma_start3A_59] : memref<10240x16xf32, #tpu.memory_space<vmem_shared>> -> memref<10240x16xf32, #tpu.memory_space<vmem_shared>>
      tpu.enqueue_indirect_dma source(%arg7 : memref<40x16xf32, #tpu.memory_space<vmem>>) target(%dma_start3A_60 : memref<10240x16xf32, #tpu.memory_space<vmem_shared>>) offsets(%dma_start3A_57 : memref<40xi32, #tpu.memory_space<vmem>>) semaphore(%arg10 : memref<!tpu.dma_semaphore, #tpu.memory_space<semaphore_mem>>) {add = true}
      %add3A_61 = arith.constant 3 : i32
      %add3A_62 = arith.addi %mul3A_36, %add3A_61 : i32
      %dma_start3A_63 = arith.constant 0 : i32
      %dma_start3A_64 = tpu.memref_slice %arg6[%add3A_62, %dma_start3A_63] : memref<250x40xi32, #tpu.memory_space<vmem>> -> memref<1x40xi32, #tpu.memory_space<vmem>>
      %dma_start3A_65 = tpu.memref_squeeze %dma_start3A_64 : memref<1x40xi32, #tpu.memory_space<vmem>> -> memref<40xi32, #tpu.memory_space<vmem>>
      %dma_start3A_66 = arith.constant 0 : i32
      %dma_start3A_67 = arith.constant 0 : i32
      %dma_start3A_68 = tpu.memref_slice %arg8[%dma_start3A_66, %dma_start3A_67] : memref<10240x16xf32, #tpu.memory_space<vmem_shared>> -> memref<10240x16xf32, #tpu.memory_space<vmem_shared>>
      tpu.enqueue_indirect_dma source(%arg7 : memref<40x16xf32, #tpu.memory_space<vmem>>) target(%dma_start3A_68 : memref<10240x16xf32, #tpu.memory_space<vmem_shared>>) offsets(%dma_start3A_65 : memref<40xi32, #tpu.memory_space<vmem>>) semaphore(%arg10 : memref<!tpu.dma_semaphore, #tpu.memory_space<semaphore_mem>>) {add = true}
      %add3A_69 = arith.constant 4 : i32
      %add3A_70 = arith.addi %mul3A_36, %add3A_69 : i32
      %dma_start3A_71 = arith.constant 0 : i32
      %dma_start3A_72 = tpu.memref_slice %arg6[%add3A_70, %dma_start3A_71] : memref<250x40xi32, #tpu.memory_space<vmem>> -> memref<1x40xi32, #tpu.memory_space<vmem>>
      %dma_start3A_73 = tpu.memref_squeeze %dma_start3A_72 : memref<1x40xi32, #tpu.memory_space<vmem>> -> memref<40xi32, #tpu.memory_space<vmem>>
      %dma_start3A_74 = arith.constant 0 : i32
      %dma_start3A_75 = arith.constant 0 : i32
      %dma_start3A_76 = tpu.memref_slice %arg8[%dma_start3A_74, %dma_start3A_75] : memref<10240x16xf32, #tpu.memory_space<vmem_shared>> -> memref<10240x16xf32, #tpu.memory_space<vmem_shared>>
      tpu.enqueue_indirect_dma source(%arg7 : memref<40x16xf32, #tpu.memory_space<vmem>>) target(%dma_start3A_76 : memref<10240x16xf32, #tpu.memory_space<vmem_shared>>) offsets(%dma_start3A_73 : memref<40xi32, #tpu.memory_space<vmem>>) semaphore(%arg10 : memref<!tpu.dma_semaphore, #tpu.memory_space<semaphore_mem>>) {add = true}
      %dma_wait3A_77 = arith.constant 0 : i32
      %dma_wait3A_78 = tpu.memref_slice %arg6[%add3A_38, %dma_wait3A_77] : memref<250x40xi32, #tpu.memory_space<vmem>> -> memref<1x40xi32, #tpu.memory_space<vmem>>
      %dma_wait3A_79 = tpu.memref_squeeze %dma_wait3A_78 : memref<1x40xi32, #tpu.memory_space<vmem>> -> memref<40xi32, #tpu.memory_space<vmem>>
      %dma_wait3A_80 = arith.constant 0 : i32
      %dma_wait3A_81 = arith.constant 0 : i32
      %dma_wait3A_82 = tpu.memref_slice %arg8[%dma_wait3A_80, %dma_wait3A_81] : memref<10240x16xf32, #tpu.memory_space<vmem_shared>> -> memref<10240x16xf32, #tpu.memory_space<vmem_shared>>
      tpu.wait_indirect_dma semaphore(%arg10 : memref<!tpu.dma_semaphore, #tpu.memory_space<semaphore_mem>>) src(%arg7 : memref<40x16xf32, #tpu.memory_space<vmem>>) dst(%dma_wait3A_82 : memref<10240x16xf32, #tpu.memory_space<vmem_shared>>)
      %dma_wait3A_83 = arith.constant 0 : i32
      %dma_wait3A_84 = tpu.memref_slice %arg6[%add3A_46, %dma_wait3A_83] : memref<250x40xi32, #tpu.memory_space<vmem>> -> memref<1x40xi32, #tpu.memory_space<vmem>>
      %dma_wait3A_85 = tpu.memref_squeeze %dma_wait3A_84 : memref<1x40xi32, #tpu.memory_space<vmem>> -> memref<40xi32, #tpu.memory_space<vmem>>
      %dma_wait3A_86 = arith.constant 0 : i32
      %dma_wait3A_87 = arith.constant 0 : i32
      %dma_wait3A_88 = tpu.memref_slice %arg8[%dma_wait3A_86, %dma_wait3A_87] : memref<10240x16xf32, #tpu.memory_space<vmem_shared>> -> memref<10240x16xf32, #tpu.memory_space<vmem_shared>>
      tpu.wait_indirect_dma semaphore(%arg10 : memref<!tpu.dma_semaphore, #tpu.memory_space<semaphore_mem>>) src(%arg7 : memref<40x16xf32, #tpu.memory_space<vmem>>) dst(%dma_wait3A_88 : memref<10240x16xf32, #tpu.memory_space<vmem_shared>>)
      %dma_wait3A_89 = arith.constant 0 : i32
      %dma_wait3A_90 = tpu.memref_slice %arg6[%add3A_54, %dma_wait3A_89] : memref<250x40xi32, #tpu.memory_space<vmem>> -> memref<1x40xi32, #tpu.memory_space<vmem>>
      %dma_wait3A_91 = tpu.memref_squeeze %dma_wait3A_90 : memref<1x40xi32, #tpu.memory_space<vmem>> -> memref<40xi32, #tpu.memory_space<vmem>>
      %dma_wait3A_92 = arith.constant 0 : i32
      %dma_wait3A_93 = arith.constant 0 : i32
      %dma_wait3A_94 = tpu.memref_slice %arg8[%dma_wait3A_92, %dma_wait3A_93] : memref<10240x16xf32, #tpu.memory_space<vmem_shared>> -> memref<10240x16xf32, #tpu.memory_space<vmem_shared>>
      tpu.wait_indirect_dma semaphore(%arg10 : memref<!tpu.dma_semaphore, #tpu.memory_space<semaphore_mem>>) src(%arg7 : memref<40x16xf32, #tpu.memory_space<vmem>>) dst(%dma_wait3A_94 : memref<10240x16xf32, #tpu.memory_space<vmem_shared>>)
      %dma_wait3A_95 = arith.constant 0 : i32
      %dma_wait3A_96 = tpu.memref_slice %arg6[%add3A_62, %dma_wait3A_95] : memref<250x40xi32, #tpu.memory_space<vmem>> -> memref<1x40xi32, #tpu.memory_space<vmem>>
      %dma_wait3A_97 = tpu.memref_squeeze %dma_wait3A_96 : memref<1x40xi32, #tpu.memory_space<vmem>> -> memref<40xi32, #tpu.memory_space<vmem>>
      %dma_wait3A_98 = arith.constant 0 : i32
      %dma_wait3A_99 = arith.constant 0 : i32
      %dma_wait3A_100 = tpu.memref_slice %arg8[%dma_wait3A_98, %dma_wait3A_99] : memref<10240x16xf32, #tpu.memory_space<vmem_shared>> -> memref<10240x16xf32, #tpu.memory_space<vmem_shared>>
      tpu.wait_indirect_dma semaphore(%arg10 : memref<!tpu.dma_semaphore, #tpu.memory_space<semaphore_mem>>) src(%arg7 : memref<40x16xf32, #tpu.memory_space<vmem>>) dst(%dma_wait3A_100 : memref<10240x16xf32, #tpu.memory_space<vmem_shared>>)
      %dma_wait3A_101 = arith.constant 0 : i32
      %dma_wait3A_102 = tpu.memref_slice %arg6[%add3A_70, %dma_wait3A_101] : memref<250x40xi32, #tpu.memory_space<vmem>> -> memref<1x40xi32, #tpu.memory_space<vmem>>
      %dma_wait3A_103 = tpu.memref_squeeze %dma_wait3A_102 : memref<1x40xi32, #tpu.memory_space<vmem>> -> memref<40xi32, #tpu.memory_space<vmem>>
      %dma_wait3A_104 = arith.constant 0 : i32
      %dma_wait3A_105 = arith.constant 0 : i32
      %dma_wait3A_106 = tpu.memref_slice %arg8[%dma_wait3A_104, %dma_wait3A_105] : memref<10240x16xf32, #tpu.memory_space<vmem_shared>> -> memref<10240x16xf32, #tpu.memory_space<vmem_shared>>
      tpu.wait_indirect_dma semaphore(%arg10 : memref<!tpu.dma_semaphore, #tpu.memory_space<semaphore_mem>>) src(%arg7 : memref<40x16xf32, #tpu.memory_space<vmem>>) dst(%dma_wait3A_106 : memref<10240x16xf32, #tpu.memory_space<vmem_shared>>)
    }
    %scan3A_28 = arith.constant 50 : i32
    %barrier3A_29 = arith.constant 0 : index
    tpu.barrier barrier_id(%barrier3A_29)
    "tpu.region"() ({
      %run_scoped3A = tpu.sem_alloc : memref<!tpu.dma_semaphore, #tpu.memory_space<semaphore_mem>>
      %dma_start3A_30 = arith.constant 0 : i32
      %dma_start3A_31 = tpu.memref_slice %arg5[%arg0, %mul3A_2, %dma_start3A_30] : memref<2x10240x16xf32, #tpu.memory_space<hbm>> -> memref<1x640x16xf32, #tpu.memory_space<hbm>>
      %dma_start3A_32 = tpu.memref_squeeze %dma_start3A_31 : memref<1x640x16xf32, #tpu.memory_space<hbm>> -> memref<640x16xf32, #tpu.memory_space<hbm>>
      %dma_start3A_33 = arith.constant 0 : i32
      %dma_start3A_34 = tpu.memref_slice %arg8[%mul3A_2, %dma_start3A_33] : memref<10240x16xf32, #tpu.memory_space<vmem_shared>> -> memref<640x16xf32, #tpu.memory_space<vmem_shared>>
      tpu.enqueue_dma source(%dma_start3A_34 : memref<640x16xf32, #tpu.memory_space<vmem_shared>>) target(%dma_start3A_32 : memref<640x16xf32, #tpu.memory_space<hbm>>) target_semaphore(%run_scoped3A : memref<!tpu.dma_semaphore, #tpu.memory_space<semaphore_mem>>)
      %dma_wait3A_35 = arith.constant 0 : i32
      %dma_wait3A_36 = tpu.memref_slice %arg5[%arg0, %mul3A_2, %dma_wait3A_35] : memref<2x10240x16xf32, #tpu.memory_space<hbm>> -> memref<1x640x16xf32, #tpu.memory_space<hbm>>
      %dma_wait3A_37 = tpu.memref_squeeze %dma_wait3A_36 : memref<1x640x16xf32, #tpu.memory_space<hbm>> -> memref<640x16xf32, #tpu.memory_space<hbm>>
      %dma_wait3A_38 = arith.constant 0 : i32
      %dma_wait3A_39 = tpu.memref_slice %arg8[%mul3A_2, %dma_wait3A_38] : memref<10240x16xf32, #tpu.memory_space<vmem_shared>> -> memref<640x16xf32, #tpu.memory_space<vmem_shared>>
      tpu.wait_dma2 semaphore(%run_scoped3A : memref<!tpu.dma_semaphore, #tpu.memory_space<semaphore_mem>>) src(%dma_wait3A_39 : memref<640x16xf32, #tpu.memory_space<vmem_shared>>) dst(%dma_wait3A_37 : memref<640x16xf32, #tpu.memory_space<hbm>>)
      tpu.yield
    }) : () -> ()
    return
  }
}

module attributes {stable_mosaic.version = 14 : i64} {
  func.func @_tc_body(%arg0: i32, %arg1: memref<1000x128xf32, #tpu.memory_space<vmem>>, %arg2: memref<2x1000x128xf32, #tpu.memory_space<vmem>>, %arg3: memref<2x1000x16xf32, #tpu.memory_space<vmem>>, %arg4: memref<128x128xf32, #tpu.memory_space<vmem>>, %arg5: memref<128x128xf32, #tpu.memory_space<vmem>>, %arg6: memref<1x128xf32, #tpu.memory_space<vmem>>, %arg7: memref<128x512xf32, #tpu.memory_space<vmem>>, %arg8: memref<1x512xf32, #tpu.memory_space<vmem>>, %arg9: memref<512x512xf32, #tpu.memory_space<vmem>>, %arg10: memref<1x512xf32, #tpu.memory_space<vmem>>, %arg11: memref<512x128xf32, #tpu.memory_space<vmem>>, %arg12: memref<1x128xf32, #tpu.memory_space<vmem>>, %arg13: memref<1000x128xf32, #tpu.memory_space<vmem>>) attributes {dimension_semantics = [#tpu.dimension_semantics<arbitrary>], iteration_bounds = array<i64: 10>, scalar_prefetch = 0 : i64, scratch_operands = 0 : i64, tpu.core_type = #tpu.core_type<tc>, window_params = [{transform_indices = @transform_0, window_bounds = array<i64: 1000, 128>}, {transform_indices = @transform_1, window_bounds = array<i64: 2, 1000, 128>}, {transform_indices = @transform_2, window_bounds = array<i64: 2, 1000, 16>}, {pipeline_mode = #tpu.pipeline_mode<synchronous>, transform_indices = @transform_3, window_bounds = array<i64: 128, 128>}, {pipeline_mode = #tpu.pipeline_mode<synchronous>, transform_indices = @transform_4, window_bounds = array<i64: 128, 128>}, {pipeline_mode = #tpu.pipeline_mode<synchronous>, transform_indices = @transform_5, window_bounds = array<i64: 1, 128>}, {pipeline_mode = #tpu.pipeline_mode<synchronous>, transform_indices = @transform_6, window_bounds = array<i64: 128, 512>}, {pipeline_mode = #tpu.pipeline_mode<synchronous>, transform_indices = @transform_7, window_bounds = array<i64: 1, 512>}, {pipeline_mode = #tpu.pipeline_mode<synchronous>, transform_indices = @transform_8, window_bounds = array<i64: 512, 512>}, {pipeline_mode = #tpu.pipeline_mode<synchronous>, transform_indices = @transform_9, window_bounds = array<i64: 1, 512>}, {pipeline_mode = #tpu.pipeline_mode<synchronous>, transform_indices = @transform_10, window_bounds = array<i64: 512, 128>}, {pipeline_mode = #tpu.pipeline_mode<synchronous>, transform_indices = @transform_11, window_bounds = array<i64: 1, 128>}, {transform_indices = @transform_12, window_bounds = array<i64: 1000, 128>}]} {
    %get3A = arith.constant 0 : index
    %get3A_0 = arith.constant 0 : index
    %get3A_1 = arith.constant 0 : index
    %get3A_2 = vector.load %arg2[%get3A, %get3A_0, %get3A_1] : memref<2x1000x128xf32, #tpu.memory_space<vmem>>, vector<1x1000x128xf32>
    %get3A_3 = vector.shape_cast %get3A_2 : vector<1x1000x128xf32> to vector<1000x128xf32>
    %get3A_4 = arith.constant 1 : index
    %get3A_5 = arith.constant 0 : index
    %get3A_6 = arith.constant 0 : index
    %get3A_7 = vector.load %arg2[%get3A_4, %get3A_5, %get3A_6] : memref<2x1000x128xf32, #tpu.memory_space<vmem>>, vector<1x1000x128xf32>
    %get3A_8 = vector.shape_cast %get3A_7 : vector<1x1000x128xf32> to vector<1000x128xf32>
    %add3A = arith.addf %get3A_3, %get3A_8 : vector<1000x128xf32>
    %get3A_9 = arith.constant 0 : index
    %get3A_10 = arith.constant 0 : index
    %get3A_11 = arith.constant 0 : index
    %get3A_12 = vector.load %arg3[%get3A_9, %get3A_10, %get3A_11] : memref<2x1000x16xf32, #tpu.memory_space<vmem>>, vector<1x1000x1xf32>
    %get3A_13 = vector.shape_cast %get3A_12 : vector<1x1000x1xf32> to vector<1000x1xf32>
    %get3A_14 = arith.constant 1 : index
    %get3A_15 = arith.constant 0 : index
    %get3A_16 = arith.constant 0 : index
    %get3A_17 = vector.load %arg3[%get3A_14, %get3A_15, %get3A_16] : memref<2x1000x16xf32, #tpu.memory_space<vmem>>, vector<1x1000x1xf32>
    %get3A_18 = vector.shape_cast %get3A_17 : vector<1x1000x1xf32> to vector<1000x1xf32>
    %add3A_19 = arith.addf %get3A_13, %get3A_18 : vector<1000x1xf32>
    %max3A = arith.constant 1.000000e+00 : f32
    %max3A_20 = vector.broadcast %max3A : f32 to vector<1000x1xf32>
    %max3A_21 = arith.maximumf %add3A_19, %max3A_20 : vector<1000x1xf32>
    %div3A = vector.broadcast %max3A_21 : vector<1000x1xf32> to vector<1000x128xf32>
    %div3A_22 = arith.divf %add3A, %div3A : vector<1000x128xf32>
    %get3A_23 = arith.constant 0 : index
    %get3A_24 = arith.constant 0 : index
    %get3A_25 = vector.load %arg1[%get3A_23, %get3A_24] : memref<1000x128xf32, #tpu.memory_space<vmem>>, vector<1000x128xf32>
    %get3A_26 = arith.constant 0 : index
    %get3A_27 = arith.constant 0 : index
    %get3A_28 = vector.load %arg4[%get3A_26, %get3A_27] : memref<128x128xf32, #tpu.memory_space<vmem>>, vector<128x128xf32>
    %dot_general3A = arith.constant dense<0.000000e+00> : vector<1000x128xf32>
    %dot_general3A_29 = tpu.matmul %get3A_25, %get3A_28, %dot_general3A {dimension_numbers = #tpu.dot_dimension_numbers<[1], [0], [0], [1], [0, 0, 1, 1], [], []>, transpose_lhs_hint = false} : vector<1000x128xf32>, vector<128x128xf32>, vector<1000x128xf32> -> vector<1000x128xf32>
    %get3A_30 = arith.constant 0 : index
    %get3A_31 = arith.constant 0 : index
    %get3A_32 = vector.load %arg5[%get3A_30, %get3A_31] : memref<128x128xf32, #tpu.memory_space<vmem>>, vector<128x128xf32>
    %dot_general3A_33 = arith.constant dense<0.000000e+00> : vector<1000x128xf32>
    %dot_general3A_34 = tpu.matmul %div3A_22, %get3A_32, %dot_general3A_33 {dimension_numbers = #tpu.dot_dimension_numbers<[1], [0], [0], [1], [0, 0, 1, 1], [], []>, transpose_lhs_hint = false} : vector<1000x128xf32>, vector<128x128xf32>, vector<1000x128xf32> -> vector<1000x128xf32>
    %add3A_35 = arith.addf %dot_general3A_29, %dot_general3A_34 : vector<1000x128xf32>
    %get3A_36 = arith.constant 0 : index
    %get3A_37 = arith.constant 0 : index
    %get3A_38 = vector.load %arg6[%get3A_36, %get3A_37] : memref<1x128xf32, #tpu.memory_space<vmem>>, vector<1x128xf32>
    %add3A_39 = vector.broadcast %get3A_38 : vector<1x128xf32> to vector<1000x128xf32>
    %add3A_40 = arith.addf %add3A_35, %add3A_39 : vector<1000x128xf32>
    %get3A_41 = arith.constant 0 : index
    %get3A_42 = arith.constant 0 : index
    %get3A_43 = vector.load %arg7[%get3A_41, %get3A_42] : memref<128x512xf32, #tpu.memory_space<vmem>>, vector<128x512xf32>
    %dot_general3A_44 = arith.constant dense<0.000000e+00> : vector<1000x512xf32>
    %dot_general3A_45 = tpu.matmul %add3A_40, %get3A_43, %dot_general3A_44 {dimension_numbers = #tpu.dot_dimension_numbers<[1], [0], [0], [1], [0, 0, 1, 1], [], []>, transpose_lhs_hint = false} : vector<1000x128xf32>, vector<128x512xf32>, vector<1000x512xf32> -> vector<1000x512xf32>
    %get3A_46 = arith.constant 0 : index
    %get3A_47 = arith.constant 0 : index
    %get3A_48 = vector.load %arg8[%get3A_46, %get3A_47] : memref<1x512xf32, #tpu.memory_space<vmem>>, vector<1x512xf32>
    %add3A_49 = vector.broadcast %get3A_48 : vector<1x512xf32> to vector<1000x512xf32>
    %add3A_50 = arith.addf %dot_general3A_45, %add3A_49 : vector<1000x512xf32>
    %tanh3A = math.tanh %add3A_50 : vector<1000x512xf32>
    %get3A_51 = arith.constant 0 : index
    %get3A_52 = arith.constant 0 : index
    %get3A_53 = vector.load %arg9[%get3A_51, %get3A_52] : memref<512x512xf32, #tpu.memory_space<vmem>>, vector<512x512xf32>
    %dot_general3A_54 = arith.constant dense<0.000000e+00> : vector<1000x512xf32>
    %dot_general3A_55 = tpu.matmul %tanh3A, %get3A_53, %dot_general3A_54 {dimension_numbers = #tpu.dot_dimension_numbers<[1], [0], [0], [1], [0, 0, 1, 1], [], []>, transpose_lhs_hint = false} : vector<1000x512xf32>, vector<512x512xf32>, vector<1000x512xf32> -> vector<1000x512xf32>
    %get3A_56 = arith.constant 0 : index
    %get3A_57 = arith.constant 0 : index
    %get3A_58 = vector.load %arg10[%get3A_56, %get3A_57] : memref<1x512xf32, #tpu.memory_space<vmem>>, vector<1x512xf32>
    %add3A_59 = vector.broadcast %get3A_58 : vector<1x512xf32> to vector<1000x512xf32>
    %add3A_60 = arith.addf %dot_general3A_55, %add3A_59 : vector<1000x512xf32>
    %tanh3A_61 = math.tanh %add3A_60 : vector<1000x512xf32>
    %get3A_62 = arith.constant 0 : index
    %get3A_63 = arith.constant 0 : index
    %get3A_64 = vector.load %arg11[%get3A_62, %get3A_63] : memref<512x128xf32, #tpu.memory_space<vmem>>, vector<512x128xf32>
    %dot_general3A_65 = arith.constant dense<0.000000e+00> : vector<1000x128xf32>
    %dot_general3A_66 = tpu.matmul %tanh3A_61, %get3A_64, %dot_general3A_65 {dimension_numbers = #tpu.dot_dimension_numbers<[1], [0], [0], [1], [0, 0, 1, 1], [], []>, transpose_lhs_hint = false} : vector<1000x512xf32>, vector<512x128xf32>, vector<1000x128xf32> -> vector<1000x128xf32>
    %get3A_67 = arith.constant 0 : index
    %get3A_68 = arith.constant 0 : index
    %get3A_69 = vector.load %arg12[%get3A_67, %get3A_68] : memref<1x128xf32, #tpu.memory_space<vmem>>, vector<1x128xf32>
    %add3A_70 = vector.broadcast %get3A_69 : vector<1x128xf32> to vector<1000x128xf32>
    %add3A_71 = arith.addf %dot_general3A_66, %add3A_70 : vector<1000x128xf32>
    %swap3A = arith.constant 0 : index
    %swap3A_72 = arith.constant 0 : index
    %swap3A_73 = vector.load %arg13[%swap3A, %swap3A_72] : memref<1000x128xf32, #tpu.memory_space<vmem>>, vector<1000x128xf32>
    tpu.vector_store %arg13[%swap3A, %swap3A_72], %add3A_71 {strides = array<i32>} : memref<1000x128xf32, #tpu.memory_space<vmem>>, vector<1000x128xf32>,
    return
  }
  func.func @transform_0(%arg0: i32) -> (i32, i32) {
    %c0_i32 = arith.constant 0 : i32
    %c0_i32_0 = arith.constant 0 : i32
    return %arg0, %c0_i32 : i32, i32
  }
  func.func @transform_1(%arg0: i32) -> (i32, i32, i32) {
    %c0_i32 = arith.constant 0 : i32
    %c0_i32_0 = arith.constant 0 : i32
    %c0_i32_1 = arith.constant 0 : i32
    return %c0_i32, %arg0, %c0_i32_0 : i32, i32, i32
  }
  func.func @transform_2(%arg0: i32) -> (i32, i32, i32) {
    %c0_i32 = arith.constant 0 : i32
    %c0_i32_0 = arith.constant 0 : i32
    %c0_i32_1 = arith.constant 0 : i32
    return %c0_i32, %arg0, %c0_i32_0 : i32, i32, i32
  }
  func.func @transform_3(%arg0: i32) -> (i32, i32) {
    %c0_i32 = arith.constant 0 : i32
    %c0_i32_0 = arith.constant 0 : i32
    %c0_i32_1 = arith.constant 0 : i32
    return %c0_i32, %c0_i32_0 : i32, i32
  }
  func.func @transform_4(%arg0: i32) -> (i32, i32) {
    %c0_i32 = arith.constant 0 : i32
    %c0_i32_0 = arith.constant 0 : i32
    %c0_i32_1 = arith.constant 0 : i32
    return %c0_i32, %c0_i32_0 : i32, i32
  }
  func.func @transform_5(%arg0: i32) -> (i32, i32) {
    %c0_i32 = arith.constant 0 : i32
    %c0_i32_0 = arith.constant 0 : i32
    %c0_i32_1 = arith.constant 0 : i32
    return %c0_i32, %c0_i32_0 : i32, i32
  }
  func.func @transform_6(%arg0: i32) -> (i32, i32) {
    %c0_i32 = arith.constant 0 : i32
    %c0_i32_0 = arith.constant 0 : i32
    %c0_i32_1 = arith.constant 0 : i32
    return %c0_i32, %c0_i32_0 : i32, i32
  }
  func.func @transform_7(%arg0: i32) -> (i32, i32) {
    %c0_i32 = arith.constant 0 : i32
    %c0_i32_0 = arith.constant 0 : i32
    %c0_i32_1 = arith.constant 0 : i32
    return %c0_i32, %c0_i32_0 : i32, i32
  }
  func.func @transform_8(%arg0: i32) -> (i32, i32) {
    %c0_i32 = arith.constant 0 : i32
    %c0_i32_0 = arith.constant 0 : i32
    %c0_i32_1 = arith.constant 0 : i32
    return %c0_i32, %c0_i32_0 : i32, i32
  }
  func.func @transform_9(%arg0: i32) -> (i32, i32) {
    %c0_i32 = arith.constant 0 : i32
    %c0_i32_0 = arith.constant 0 : i32
    %c0_i32_1 = arith.constant 0 : i32
    return %c0_i32, %c0_i32_0 : i32, i32
  }
  func.func @transform_10(%arg0: i32) -> (i32, i32) {
    %c0_i32 = arith.constant 0 : i32
    %c0_i32_0 = arith.constant 0 : i32
    %c0_i32_1 = arith.constant 0 : i32
    return %c0_i32, %c0_i32_0 : i32, i32
  }
  func.func @transform_11(%arg0: i32) -> (i32, i32) {
    %c0_i32 = arith.constant 0 : i32
    %c0_i32_0 = arith.constant 0 : i32
    %c0_i32_1 = arith.constant 0 : i32
    return %c0_i32, %c0_i32_0 : i32, i32
  }
  func.func @transform_12(%arg0: i32) -> (i32, i32) {
    %c0_i32 = arith.constant 0 : i32
    %c0_i32_0 = arith.constant 0 : i32
    return %arg0, %c0_i32 : i32, i32
  }
}

</mosaic_0001>

<sc_bundles>
// kernel: kernel.5.cloned.1.call-start
scs
__scs_entry_jumppad:
0x0: {  	(pc) =	sbr.rel $0x88, $3  }
0x1: {  	(tag) =	ssettag $0x0;
	lr =	simm.s32 $0x1  }
0x2: {  	[smem:$0x3F96] =	sst lr;
	_ =	strace $0xD0000000  }
0x3: {  	_ = 	snop  }
0x4: {  	_ = 	snop  }
0x5: {  	_ = 	snop  }
0x6: {  	_ = 	snop  }
0x7: {  	_ = 	snop  }
__scs_overlays_trampoline_lowered:
0x8: {  	[smem:$0x3FA5] =	sst s0  }
0x9: {  	[smem:$0x3FA6] =	sst s1  }
0xa: {  	[smem:$0x3FA7] =	sst s2  }
0xb: {  	[smem:$0x3FA8] =	sst s3  }
0xc: {  	[smem:$0x3FA9] =	sst s4  }
0xd: {  	[smem:$0x3FAA] =	sst s5  }
0xe: {  	[smem:$0x3FAB] =	sst s6  }
0xf: {  	[smem:$0x3FAC] =	sst s7  }
0x10: {  	[smem:$0x3FAD] =	sst s8  }
0x11: {  	[smem:$0x3FAE] =	sst s9;
	s0 =	simm.s32 @!p0 $0x0  }
0x12: {  	s1 =	sld [smem:$0x3F94];
	s0 =	simm.s32 @p0 $0x1  }
0x13: {  	[smem:$0x3FAF] =	sst s0;
	s0 =	simm.s32 @!p1 $0x0  }
0x14: {  	s2 =	sld [smem:$0x3F93];
	s0 =	simm.s32 @p1 $0x1  }
0x15: {  	[smem:$0x3FB0] =	sst s0;
	s0 =	simm.s32 @!p2 $0x0  }
0x16: {  	s3 =	sld [smem:$0x3FDB];
	s0 =	simm.s32 @p2 $0x1  }
0x17: {  	s4 =	simm.s32 $0x1BF5;
	[smem:$0x3FB2] =	sst s0  }
0x18: {  	s0 =	sld [smem:$0x3F95];
	_ =	swait.ge [sflag:s4], $0x0  }
0x19: {  	s7 =	sld [smem:$0x3F96]  }
0x1a: {  	s8 =	sadd.s32 $0xFFFFE003, lr  }
0x1b: {  	s9 =	sadd.s32 $0xFFFFFEF7, lr;
	s5 =	simm.s32 $0xFFFFFFFF;
	p2 =	slt.u32 s8, $0xFFFFF086  }
0x1c: {  	p1 =	slt.u32 s9, $0xF7A;
	s5 =	simm.s32 @!p2 $0x0  }
0x1d: {  	s5 =	simm.s32 @p1 $0x1;
	p0 =	seq.s32 s7, s2  }
0x1e: {  	s7 =	smul.u32 @!p0 $0xF7A, s2;
	p2 =	seq.s32 @!p0 s5, $0x0  }
0x1f: {  	s9 =	smul.u32 $0xF7A, s1;
	s8 =	simm.s32 @!p0 $0x1BF5;
	p2 =	por !p2, p0  }
0x20: {  	[sflag:s8] =	ssyncset.s32 @!p0 $0xFFFFF086;
	s6 =	sadd.s32 @!p0 s3, s7;
	s7 =	simm.s32 @!p0 $0x108  }
0x21: {  	s3 =	sadd.s32 s3, s9;
	s6 =	sadd.s32 @!p0 $0x88, s6;
	s7 =	simm.s32 @p2 $0x1082  }
0x22: {  	[simem:s7], [sflag:s8] =	dma.local @!p0 [hbm:s6], $0xF7A  }
0x23: {  	s9 =	sor.u32 $0xD0000000, s2;
	s6 =	simm.s32 $0x108;
	_ =	swait.ge @!p0 [sflag:s8], $0x0  }
0x24: {  	s3 =	sadd.s32 $0x88, s3;
	s6 =	simm.s32 @!p1 $0x1082;
	[sflag:s4] =	ssyncset.s32 $0xFFFFF086  }
0x25: {  	[simem:s6], [sflag:s4] =	dma.local [hbm:s3], $0xF7A  }
0x26: {  	[smem:$0x3F96] =	sst s1;
	(tag) =	ssettag s2;
	_ =	strace s9  }
0x27: {  	s1 =	sld [smem:$0x3FA6]  }
0x28: {  	s2 =	sld [smem:$0x3FA7]  }
0x29: {  	s4 =	sld [smem:$0x3FA9]  }
0x2a: {  	p0 =	seq.s32 s5, $0x0;
	s5 =	sld [smem:$0x3FAA]  }
0x2b: {  	s6 =	sld [smem:$0x3FAB]  }
0x2c: {  	s7 =	sld [smem:$0x3FAC]  }
0x2d: {  	s3 =	simm.s32 $0x108;
	s8 =	sld [smem:$0x3FAD]  }
0x2e: {  	s3 =	simm.s32 @!p0 $0x1082;
	s9 =	sld [smem:$0x3FAE]  }
0x2f: {  	lr =	sadd.s32 s0, s3;
	s0 =	sld [smem:$0x3FA5]  }
0x30: {  	s3 =	sld [smem:$0x3FA8]  }
0x31: {  	[smem:$0x3FB1] =	sst s10  }
0x32: {  	s10 =	sld [smem:$0x3FAF];
	_ =	sdelay $0x3  }
0x33: {  	p0 =	seq.s32 s10, $0x1;
	s10 =	sld [smem:$0x3FB1];
	_ =	sdelay $0x3  }
0x34: {  	[smem:$0x3FB1] =	sst s10  }
0x35: {  	s10 =	sld [smem:$0x3FB0];
	_ =	sdelay $0x3  }
0x36: {  	p1 =	seq.s32 s10, $0x1;
	s10 =	sld [smem:$0x3FB1];
	_ =	sdelay $0x3  }
0x37: {  	[smem:$0x3FB1] =	sst s10  }
0x38: {  	s10 =	sld [smem:$0x3FB2]  }
0x39: {  	_ = 	snop;
	(pc) =	sbr.ind lr, $3  }
0x3a: {  	_ = 	snop  }
0x3b: {  	_ = 	snop  }
0x3c: {  	p2 =	seq.s32 s10, $0x1;
	s10 =	sld [smem:$0x3FB1]  }
0x3d: {  	_ =	shalt  }
0x3e: {  	_ =	shalt  }
0x3f: {  	_ =	shalt  }
0x40: {  	_ =	shalt  }
0x41: {  	_ =	shalt  }
0x42: {  	_ =	shalt  }
0x43: {  	_ =	shalt  }
0x44: {  	_ =	shalt  }
0x45: {  	_ =	shalt  }
0x46: {  	_ =	shalt  }
0x47: {  	_ =	shalt  }
0x48: {  	_ =	shalt  }
0x49: {  	_ =	shalt  }
0x4a: {  	_ =	shalt  }
0x4b: {  	_ =	shalt  }
0x4c: {  	_ =	shalt  }
0x4d: {  	_ =	shalt  }
0x4e: {  	_ =	shalt  }
0x4f: {  	_ =	shalt  }
0x50: {  	_ =	shalt  }
0x51: {  	_ =	shalt  }
0x52: {  	_ =	shalt  }
0x53: {  	_ =	shalt  }
0x54: {  	_ =	shalt  }
0x55: {  	_ =	shalt  }
0x56: {  	_ =	shalt  }
0x57: {  	_ =	shalt  }
0x58: {  	_ =	shalt  }
0x59: {  	_ =	shalt  }
0x5a: {  	_ =	shalt  }
0x5b: {  	_ =	shalt  }
0x5c: {  	_ =	shalt  }
0x5d: {  	_ =	shalt  }
0x5e: {  	_ =	shalt  }
0x5f: {  	_ =	shalt  }
0x60: {  	_ =	shalt  }
0x61: {  	_ =	shalt  }
0x62: {  	_ =	shalt  }
0x63: {  	_ =	shalt  }
0x64: {  	_ =	shalt  }
0x65: {  	_ =	shalt  }
0x66: {  	_ =	shalt  }
0x67: {  	_ =	shalt  }
0x68: {  	_ =	shalt  }
0x69: {  	_ =	shalt  }
0x6a: {  	_ =	shalt  }
0x6b: {  	_ =	shalt  }
0x6c: {  	_ =	shalt  }
0x6d: {  	_ =	shalt  }
0x6e: {  	_ =	shalt  }
0x6f: {  	_ =	shalt  }
0x70: {  	_ =	shalt  }
0x71: {  	_ =	shalt  }
0x72: {  	_ =	shalt  }
0x73: {  	_ =	shalt  }
0x74: {  	_ =	shalt  }
0x75: {  	_ =	shalt  }
0x76: {  	_ =	shalt  }
0x77: {  	_ =	shalt  }
0x78: {  	_ =	shalt  }
0x79: {  	_ =	shalt  }
0x7a: {  	_ =	shalt  }
0x7b: {  	_ =	shalt  }
0x7c: {  	_ =	shalt  }
0x7d: {  	_ =	shalt  }
0x7e: {  	_ =	shalt  }
0x7f: {  	_ =	shalt  }
0x80: {  	_ =	shalt  }
0x81: {  	_ =	shalt  }
0x82: {  	_ =	shalt  }
0x83: {  	_ =	shalt  }
0x84: {  	_ =	shalt  }
0x85: {  	_ =	shalt  }
0x86: {  	_ =	shalt  }
0x87: {  	_ =	shalt  }
.Lfunc_end0:
.L_simem_size_0:
called_computation_lowered:
.L_overlay_start_0:
0x88: {  	s2 =	sld [smem:$0x3FD9]  }
0x89: {  	s3 =	sld [smem:$0x3FFE];
	_ =	sdelay $0x1  }
0x8a: {  	s1 =	srdreg.scid  }
0x8b: {  	s0 =	sand.u32 $0x1, s1  }
0x8c: {  	s17 =	sshll.u32 s0, $0xA;
	s2 =	sadd.s32 s3, s2  }
0x8d: {  	s2 =	sadd.s32 s2, s17  }
0x8e: {  	[smem:$0x3FBD] =	sst s2  }
0x8f: {  	_ = 	snop  }
0x90: {  	s18 =	sld [smem:$0x3FC9];
	(tm) =	ssettm $0x1  }
0x91: {  	s19 =	sld [smem:$0x3FFB];
	_ =	sdelay $0x3  }
0x92: {  	_ =	strace s19  }
0x93: {  	s2 =	sld [smem:$0x3FFC];
	_ =	sdelay $0x3  }
0x94: {  	_ =	strace s2  }
0x95: {  	s2 =	sld [smem:$0x3FFD];
	_ =	sdelay $0x3  }
0x96: {  	_ =	strace s2  }
0x97: {  	_ =	strace $0x8FFFFFFF  }
0x98: {  	s20 =	sld [smem:$0x3FDB];
	_ =	sdelay $0x1  }
0x99: {  	s4 =	simm.s32 $_scs_section_size  }
0x9a: {  	s5 =	simm.s32 $_size__tile_overlayer_lowered;
	s6 =	simm.s32 $_tile_overlayer_lowered  }
0x9b: {  	s7 =	simm.s32 $0x1BFF;
	s21 =	sshll.u32 s6, $0x1;
	s4 =	sadd.s32 s4, s20  }
0x9c: {  	s22 =	simm.s32 $0x0;
	s5 =	sshll.u32 s5, $0x1;
	s6 =	sadd.s32 s21, s4  }
0x9d: {  	[timem:s22], [sflag:s7] =	dma.local [hbm:s6], s5  }
0x9e: {  	_ =	swait.ge [sflag:s7], s5  }
0x9f: {  	s5 =	ssub.s32 $0x0, s5;
	[sflag:s7] =	ssyncset.done $0x0  }
0xa0: {  	[sflag:s7] =	ssyncadd.s32 s5;
	_ =	sdelay $0x1  }
0xa1: {  	s23 =	simm.s32 $0x1B8B  }
0xa2: {  	_ =	swait.ge [sflag:s23], $0x1  }
0xa3: {  	[sflag:s23] =	ssyncset.done $0x0  }
0xa4: {  	[sflag:s23] =	ssyncadd.s32 $0xFFFFFFFF  }
0xa5: {  	s5 =	sld [smem:$0x0]  }
0xa6: {  	s6 =	sand.u32 $0xFFFFFFFE, s1  }
0xa7: {  	p0 =	sne.s32 s1, s6  }
0xa8: {  	s6 =	sshll.u32 @p0 s6, $0xE  }
0xa9: {  	s6 =	sadd.s32 @p0 $0x11B8D, s6;
	s7 =	sshll.u32 @p0 s5, $0x11  }
0xaa: {  	s6 =	sor.u32 @p0 s7, s6  }
0xab: {  	[sflag:s6] =	ssyncadd.remote.s32 @p0 $0x1;
	_ =	sdelay $0x1  }
0xac: {  	s6 =	simm.s32 @p0 $0x1B8D  }
0xad: {  	_ =	swait.eq @p0 [sflag:s6], $0x1  }
0xae: {  	[sflag:s6] =	ssyncadd.s32 @p0 $0xFFFFFFFF  }
0xaf: {  	s7 =	sshll.u32 @!p0 s1, $0xE  }
0xb0: {  	s7 =	sor.u32 @!p0 $0x4000, s7;
	s6 =	simm.s32 @!p0 $0x1B8D  }
0xb1: {  	s5 =	sshll.u32 @!p0 s5, $0x11;
	s7 =	sadd.s32 @!p0 $0x11B8D, s7;
	_ =	swait.eq @!p0 [sflag:s6], $0x1  }
0xb2: {  	s5 =	sor.u32 @!p0 s5, s7;
	[sflag:s6] =	ssyncadd.s32 @!p0 $0xFFFFFFFF  }
0xb3: {  	s25 =	simm.s32 $0x1B8E;
	s24 =	sld [smem:$0x3FFE];
	[sflag:s5] =	ssyncadd.remote.s32 @!p0 $0x1  }
0xb4: {  	s26 =	simm.s32 $execute0_lowered;
	[smem:$0x3FD2] =	sst s25  }
0xb5: {  	s6 =	sshll.u32 s26, $0x1;
	_ =	strace $0x80000049;
	[dreg:$0x1] =	wrdreg $0xFFFFFFFF  }
0xb6: {  	s28 =	simm.s32 $_size_execute0_lowered;
	s4 =	sadd.s32 s4, s6;
	[dreg:$0x0] =	wrdreg $0x0  }
0xb7: {  	s6 =	sshll.u32 s28, $0x1;
	[dreg:$0x2] =	wrdreg s4  }
0xb8: {  	[dreg:$0x3] =	wrdreg s6  }
0xb9: {  	[dreg:$0x4] =	wrdreg $0xC0  }
0xba: {  	_ =	task [dreg:s22], $0x5FFFF  }
0xbb: {  	[dreg:$0x1] =	wrdreg $0xFFFFFFFF  }
0xbc: {  	[dreg:$0x0] =	wrdreg $0x60  }
0xbd: {  	[dreg:$0x2] =	wrdreg s18  }
0xbe: {  	[dreg:$0x3] =	wrdreg s24  }
0xbf: {  	[dreg:$0x4] =	wrdreg $0xB2200  }
0xc0: {  	[dreg:$0x5] =	wrdreg $0x9  }
0xc1: {  	_ =	task.clear_ibuf [dreg:s22], $0x6FFFF;
	_ =	strace $0x90000049  }
0xc2: {  	s29 =	simm.s32 $0x9;
	_ =	strace $0x8000004B  }
0xc3: {  	_ =	swait.ge [sflag:s29], $0x1  }
0xc4: {  	[sflag:s29] =	ssyncadd.s32 $0xFFFFFFFF  }
0xc5: {  	_ =	strace $0x9000004B  }
0xc6: {  	_ =	sfence  }
0xc7: {  	s30 =	sld [smem:$0x0];
	_ =	sdelay $0x2  }
0xc8: {  	s31 =	sshll.u32 s1, $0xD;
	s1 =	sshrl.u32 s1, $0x2  }
0xc9: {  	s4 =	sand.u32 $0x4000, s31;
	s1 =	sadd.s32 s1, s30  }
0xca: {  	s0 =	sor.u32 s4, s0;
	s1 =	sshll.u32 s1, $0x11  }
0xcb: {  	s0 =	sor.u32 s1, s0  }
0xcc: {  	s0 =	sadd.s32 $0x8F2B, s0  }
0xcd: {  	[sflag:s0] =	ssyncadd.remote.s32 $0x1  }
0xce: {  	_ =	sfence.sel $0xFFFF  }
0xcf: {  	[dreg:$0x0] =	wrdreg $0xFFFFFFFF;
	(pc) =	sbr.abs _section_cstart, $3  }
0xd0: {  	[dreg:$0x1] =	wrdreg $0xFFFFFFFF  }
0xd1: {  	_ =	task.clear_ibuf [dreg:s22], $0x2FFFF;
	_ =	strace $0x9FFFFFFF  }
0xd2: {  	(tm) =	ssettm $0x7FFFFFFF  }
0xd3: {  	_ =	shalt  }
tec
execute0_lowered:
.L_overlay_start_1:
0x0: {  	(tag) =	ssettag $0x1  }
0x1: {  	s1 =	rddreg [dreg:$0x0]  }
0x2: {  	s0 =	srdreg.scid;
	s6 =	rddreg [dreg:$0x1]  }
0x3: {  	s3 =	rddreg [dreg:$0x2];
	s4 =	simm.s32 $0x0;
	s13 =	simm.s32 $0x1  }
0x4: {  	s14 =	simm.s32 $0x2;
	s15 =	simm.s32 $0x28;
	s16 =	simm.s32 $0x4E20  }
0x5: {  	s17 =	simm.s32 $0x6220;
	s18 =	simm.s32 $0x7620;
	s19 =	simm.s32 $0x8A20  }
0x6: {  	s20 =	simm.s32 $0x9E20;
	s5 =	sand.u32 $0x1, s0;
	s0 =	stileid.u32  }
0x7: {  	s22 =	simm.s32 $0x3;
	s23 =	simm.s32 $0x0;
	s8 =	smul.u32 $0x14000, s0  }
0x8: {  	[smem:$0x7FF] =	sst s4;
	s2 =	sshll.u32 s5, $0x4;
	s9 =	smul.u32 $0x140000, s5  }
0x9: {  	s5 =	ssub.s32 $0x2, s5;
	s21 =	sshll.u32 s0, $0x6;
	s2 =	sor.u32 s0, s2  }
0xa: {  	s11 =	sshrl.u32 s5, $0x1;
	s7 =	smul.u32 $0x4E2, s2;
	s2 =	rddreg [dreg:$0x3]  }
0xb: {  	_ =	strace $0x8000004A;
	s9 =	sadd.s32 s8, s9;
	s10 =	sshrl.u32 s8, $0x3  }
0xc: {  	s11 =	ssub.s32 s5, s11;
	s12 =	sadd.s32 s8, s3;
	s8 =	sor.u32 $0x1C02, s21  }
0xd: {  	s21 =	sor.u32 $0x1C03, s21;
	s9 =	sshrl.u32 s9, $0x3;
	s10 =	sadd.s32 s10, s6  }
0xe: {  	s12 =	sshrl.u32 s12, $0x3;
	s7 =	sadd.s32 s7, s6;
	s9 =	sadd.s32 s9, s6  }
0xf: {  	s5 =	sadd.s32 $0xBA00, s7;
	s6 =	sadd.s32 $0x1C00, s7;
	s7 =	sadd.s32 $0x1AA00, s10  }
0x10: {  	s9 =	sadd.s32 $0x42A00, s9;
	s10 =	smax.u32 s11, $0x1;
	s11 =	simm.s32 $0x2710  }
.LBB2_1:
0x11: {  	[tilespmem:s4], [sflag:$0x1] =	stream.linear.gather [hbm4b:s5+s4], $0x2710, $0x38;
	[tilespmem:$0x1F220] =	vst v63  }
0x12: {  	_ = 	snop  }
0x13: {  	[tilespmem:s11], [sflag:$0x1] =	stream.linear.gather [hbm4b:s6+s4], $0x2710, $0x38;
	[tilespmem:$0x1F220] =	vst v63  }
0x14: {  	[spmem:s12], [sflag:s8] =	dma.local [hbm:s7], $0x2800  }
0x15: {  	_ =	swait.ge [sflag:s13], $0x2710  }
0x16: {  	[sflag:s13] =	ssyncset.done $0x0  }
0x17: {  	[sflag:s13] =	ssyncadd.s32 $0xFFFFD8F0  }
0x18: {  	_ =	swait.ge [sflag:s13], $0x2710  }
0x19: {  	[sflag:s13] =	ssyncset.done $0x0  }
0x1a: {  	[sflag:s13] =	ssyncadd.s32 $0xFFFFD8F0  }
0x1b: {  	_ =	swait.ge [sflag:s14], $0x2800  }
0x1c: {  	[sflag:s14] =	ssyncset.done $0x0  }
0x1d: {  	[sflag:s14] =	ssyncadd.s32 $0xFFFFD800  }
0x1e: {  	s24 =	simm.s32 $0x0;
	[bflag:$0x0] =	sbarrier.arrive $0xFFFF  }
0x1f: {  	[tilespmem:s16], [sflag:$0x1] =	stream.indirect.gather [hbm4b:s1+s15], $0x80, s24, s15, $0xb8;
	[tilespmem:$0x1F220] =	vst v63  }
0x20: {  	s26 =	simm.s32 $0x28  }
0x21: {  	[tilespmem:s17], [sflag:$0x1] =	stream.indirect.gather [hbm4b:s1+s15], $0x80, s26, s15, $0xb8;
	[tilespmem:$0x1F220] =	vst v63  }
0x22: {  	s29 =	simm.s32 $0x50  }
0x23: {  	[tilespmem:s18], [sflag:$0x1] =	stream.indirect.gather [hbm4b:s1+s15], $0x80, s29, s15, $0xb8;
	[tilespmem:$0x1F220] =	vst v63  }
0x24: {  	s30 =	simm.s32 $0x78  }
0x25: {  	[tilespmem:s19], [sflag:$0x1] =	stream.indirect.gather [hbm4b:s1+s15], $0x80, s30, s15, $0xb8;
	[tilespmem:$0x1F220] =	vst v63  }
0x26: {  	s31 =	simm.s32 $0xA0  }
0x27: {  	[tilespmem:s20], [sflag:$0x1] =	stream.indirect.gather [hbm4b:s1+s15], $0x80, s31, s15, $0xb8;
	[tilespmem:$0x1F220] =	vst v63  }
0x28: {  	_ =	swait.ge [sflag:s13], $0x1400  }
0x29: {  	[sflag:s13] =	ssyncset.done $0x0  }
0x2a: {  	[sflag:s13] =	ssyncadd.s32 $0xFFFFEC00  }
0x2b: {  	_ =	swait.ge [sflag:s13], $0x1400  }
0x2c: {  	[sflag:s13] =	ssyncset.done $0x0  }
0x2d: {  	[sflag:s13] =	ssyncadd.s32 $0xFFFFEC00  }
0x2e: {  	_ =	swait.ge [sflag:s13], $0x1400  }
0x2f: {  	[sflag:s13] =	ssyncset.done $0x0  }
0x30: {  	[sflag:s13] =	ssyncadd.s32 $0xFFFFEC00  }
0x31: {  	_ =	swait.ge [sflag:s13], $0x1400  }
0x32: {  	[sflag:s13] =	ssyncset.done $0x0  }
0x33: {  	[sflag:s13] =	ssyncadd.s32 $0xFFFFEC00  }
0x34: {  	_ =	swait.ge [sflag:s13], $0x1400  }
0x35: {  	[sflag:s13] =	ssyncset.done $0x0  }
0x36: {  	s25 =	simm.s32 $0x2710;
	[sflag:s13] =	ssyncadd.s32 $0xFFFFEC00  }
0x37: {  	[spmem:s3] =	stream.indirect.scatter.add.f32 [tilespmem:s16], [sflag:$0x2], $0x80, s25, s15, $0xb8;
	[tilespmem:$0x1F220] =	vst v63  }
0x38: {  	s26 =	simm.s32 $0x2738  }
0x39: {  	[spmem:s3] =	stream.indirect.scatter.add.f32 [tilespmem:s17], [sflag:$0x2], $0x80, s26, s15, $0xb8;
	[tilespmem:$0x1F220] =	vst v63  }
0x3a: {  	s29 =	simm.s32 $0x2760  }
0x3b: {  	[spmem:s3] =	stream.indirect.scatter.add.f32 [tilespmem:s18], [sflag:$0x2], $0x80, s29, s15, $0xb8;
	[tilespmem:$0x1F220] =	vst v63  }
0x3c: {  	s30 =	simm.s32 $0x2788  }
0x3d: {  	[spmem:s3] =	stream.indirect.scatter.add.f32 [tilespmem:s19], [sflag:$0x2], $0x80, s30, s15, $0xb8;
	[tilespmem:$0x1F220] =	vst v63  }
0x3e: {  	s31 =	simm.s32 $0x27B0  }
0x3f: {  	[spmem:s3] =	stream.indirect.scatter.add.f32 [tilespmem:s20], [sflag:$0x2], $0x80, s31, s15, $0xb8;
	[tilespmem:$0x1F220] =	vst v63  }
0x40: {  	_ =	swait.ge [sflag:s14], $0x1400  }
0x41: {  	[sflag:s14] =	ssyncset.done $0x0  }
0x42: {  	[sflag:s14] =	ssyncadd.s32 $0xFFFFEC00  }
0x43: {  	_ =	swait.ge [sflag:s14], $0x1400  }
0x44: {  	[sflag:s14] =	ssyncset.done $0x0  }
0x45: {  	[sflag:s14] =	ssyncadd.s32 $0xFFFFEC00  }
0x46: {  	_ =	swait.ge [sflag:s14], $0x1400  }
0x47: {  	[sflag:s14] =	ssyncset.done $0x0  }
0x48: {  	[sflag:s14] =	ssyncadd.s32 $0xFFFFEC00  }
0x49: {  	_ =	swait.ge [sflag:s14], $0x1400  }
0x4a: {  	[sflag:s14] =	ssyncset.done $0x0  }
0x4b: {  	[sflag:s14] =	ssyncadd.s32 $0xFFFFEC00  }
0x4c: {  	_ =	swait.ge [sflag:s14], $0x1400  }
0x4d: {  	s28 =	simm.s32 $0x640;
	s24 =	simm.s32 $0x320;
	[sflag:s14] =	ssyncset.done $0x0  }
.LBB2_2:
0x4e: {  	s26 =	sshra.s32 s24, $0x2  }
0x4f: {  	[sflag:s14] =	ssyncadd.s32 $0xFFFFEC00;
	s24 =	smov.u32 s28;
	s25 =	sadd.s32 $0x320, s28  }
0x50: {  	[tilespmem:s16], [sflag:$0x1] =	stream.indirect.gather [hbm4b:s1+s15], $0x80, s26, s15, $0xb8;
	[tilespmem:$0x1F220] =	vst v63  }
0x51: {  	p0 =	sne.s32 s28, $0x9920;
	s28 =	sadd.s32 $0x28, s26  }
0x52: {  	[tilespmem:s17], [sflag:$0x1] =	stream.indirect.gather [hbm4b:s1+s15], $0x80, s28, s15, $0xb8;
	[tilespmem:$0x1F220] =	vst v63  }
0x53: {  	s28 =	sadd.s32 $0x50, s26  }
0x54: {  	[tilespmem:s18], [sflag:$0x1] =	stream.indirect.gather [hbm4b:s1+s15], $0x80, s28, s15, $0xb8;
	[tilespmem:$0x1F220] =	vst v63  }
0x55: {  	s28 =	sadd.s32 $0x78, s26  }
0x56: {  	[tilespmem:s19], [sflag:$0x1] =	stream.indirect.gather [hbm4b:s1+s15], $0x80, s28, s15, $0xb8;
	[tilespmem:$0x1F220] =	vst v63  }
0x57: {  	s28 =	sadd.s32 $0xA0, s26  }
0x58: {  	[tilespmem:s20], [sflag:$0x1] =	stream.indirect.gather [hbm4b:s1+s15], $0x80, s28, s15, $0xb8;
	[tilespmem:$0x1F220] =	vst v63  }
0x59: {  	_ =	swait.ge [sflag:s13], $0x1400  }
0x5a: {  	[sflag:s13] =	ssyncset.done $0x0  }
0x5b: {  	[sflag:s13] =	ssyncadd.s32 $0xFFFFEC00  }
0x5c: {  	_ =	swait.ge [sflag:s13], $0x1400  }
0x5d: {  	[sflag:s13] =	ssyncset.done $0x0  }
0x5e: {  	[sflag:s13] =	ssyncadd.s32 $0xFFFFEC00  }
0x5f: {  	_ =	swait.ge [sflag:s13], $0x1400  }
0x60: {  	[sflag:s13] =	ssyncset.done $0x0  }
0x61: {  	[sflag:s13] =	ssyncadd.s32 $0xFFFFEC00  }
0x62: {  	_ =	swait.ge [sflag:s13], $0x1400  }
0x63: {  	[sflag:s13] =	ssyncset.done $0x0  }
0x64: {  	[sflag:s13] =	ssyncadd.s32 $0xFFFFEC00  }
0x65: {  	_ =	swait.ge [sflag:s13], $0x1400  }
0x66: {  	[sflag:s13] =	ssyncset.done $0x0  }
0x67: {  	s28 =	sadd.s32 $0x2710, s26;
	[sflag:s13] =	ssyncadd.s32 $0xFFFFEC00  }
0x68: {  	[spmem:s3] =	stream.indirect.scatter.add.f32 [tilespmem:s16], [sflag:$0x2], $0x80, s28, s15, $0xb8;
	[tilespmem:$0x1F220] =	vst v63  }
0x69: {  	s28 =	sadd.s32 $0x2738, s26  }
0x6a: {  	[spmem:s3] =	stream.indirect.scatter.add.f32 [tilespmem:s17], [sflag:$0x2], $0x80, s28, s15, $0xb8;
	[tilespmem:$0x1F220] =	vst v63  }
0x6b: {  	s28 =	sadd.s32 $0x2760, s26  }
0x6c: {  	[spmem:s3] =	stream.indirect.scatter.add.f32 [tilespmem:s18], [sflag:$0x2], $0x80, s28, s15, $0xb8;
	[tilespmem:$0x1F220] =	vst v63  }
0x6d: {  	s28 =	sadd.s32 $0x2788, s26  }
0x6e: {  	[spmem:s3] =	stream.indirect.scatter.add.f32 [tilespmem:s19], [sflag:$0x2], $0x80, s28, s15, $0xb8;
	[tilespmem:$0x1F220] =	vst v63  }
0x6f: {  	s26 =	sadd.s32 $0x27B0, s26  }
0x70: {  	[spmem:s3] =	stream.indirect.scatter.add.f32 [tilespmem:s20], [sflag:$0x2], $0x80, s26, s15, $0xb8;
	[tilespmem:$0x1F220] =	vst v63  }
0x71: {  	_ =	swait.ge [sflag:s14], $0x1400  }
0x72: {  	[sflag:s14] =	ssyncset.done $0x0  }
0x73: {  	[sflag:s14] =	ssyncadd.s32 $0xFFFFEC00  }
0x74: {  	_ =	swait.ge [sflag:s14], $0x1400  }
0x75: {  	[sflag:s14] =	ssyncset.done $0x0  }
0x76: {  	[sflag:s14] =	ssyncadd.s32 $0xFFFFEC00  }
0x77: {  	_ =	swait.ge [sflag:s14], $0x1400  }
0x78: {  	[sflag:s14] =	ssyncset.done $0x0  }
0x79: {  	[sflag:s14] =	ssyncadd.s32 $0xFFFFEC00  }
.Ltmp0:
0x7a: {  	_ =	swait.ge [sflag:s14], $0x1400;
	(pc) =	sbr.rel @p0 .LBB2_2-.Ltmp0, $4  }
0x7b: {  	[sflag:s14] =	ssyncset.done $0x0  }
0x7c: {  	[sflag:s14] =	ssyncadd.s32 $0xFFFFEC00  }
0x7d: {  	_ =	swait.ge [sflag:s14], $0x1400  }
0x7e: {  	s28 =	smov.u32 s25;
	[sflag:s14] =	ssyncset.done $0x0  }
0x7f: {  	s24 =	sshra.s32 s24, $0x2;
	[sflag:s14] =	ssyncadd.s32 $0xFFFFEC00  }
0x80: {  	[tilespmem:s16], [sflag:$0x1] =	stream.indirect.gather [hbm4b:s1+s15], $0x80, s24, s15, $0xb8;
	[tilespmem:$0x1F220] =	vst v63  }
0x81: {  	s25 =	sadd.s32 $0x28, s24  }
0x82: {  	[tilespmem:s17], [sflag:$0x1] =	stream.indirect.gather [hbm4b:s1+s15], $0x80, s25, s15, $0xb8;
	[tilespmem:$0x1F220] =	vst v63  }
0x83: {  	s30 =	sadd.s32 $0x50, s24  }
0x84: {  	[tilespmem:s18], [sflag:$0x1] =	stream.indirect.gather [hbm4b:s1+s15], $0x80, s30, s15, $0xb8;
	[tilespmem:$0x1F220] =	vst v63  }
0x85: {  	s31 =	sadd.s32 $0x78, s24  }
0x86: {  	[tilespmem:s19], [sflag:$0x1] =	stream.indirect.gather [hbm4b:s1+s15], $0x80, s31, s15, $0xb8;
	[tilespmem:$0x1F220] =	vst v63  }
0x87: {  	s26 =	sadd.s32 $0xA0, s24  }
0x88: {  	[tilespmem:s20], [sflag:$0x1] =	stream.indirect.gather [hbm4b:s1+s15], $0x80, s26, s15, $0xb8;
	[tilespmem:$0x1F220] =	vst v63  }
0x89: {  	_ =	swait.ge [sflag:s13], $0x1400  }
0x8a: {  	[sflag:s13] =	ssyncset.done $0x0  }
0x8b: {  	[sflag:s13] =	ssyncadd.s32 $0xFFFFEC00  }
0x8c: {  	_ =	swait.ge [sflag:s13], $0x1400  }
0x8d: {  	[sflag:s13] =	ssyncset.done $0x0  }
0x8e: {  	[sflag:s13] =	ssyncadd.s32 $0xFFFFEC00  }
0x8f: {  	_ =	swait.ge [sflag:s13], $0x1400  }
0x90: {  	[sflag:s13] =	ssyncset.done $0x0  }
0x91: {  	[sflag:s13] =	ssyncadd.s32 $0xFFFFEC00  }
0x92: {  	_ =	swait.ge [sflag:s13], $0x1400  }
0x93: {  	[sflag:s13] =	ssyncset.done $0x0  }
0x94: {  	[sflag:s13] =	ssyncadd.s32 $0xFFFFEC00  }
0x95: {  	_ =	swait.ge [sflag:s13], $0x1400  }
0x96: {  	[sflag:s13] =	ssyncset.done $0x0  }
0x97: {  	s28 =	sadd.s32 $0x2710, s24;
	[sflag:s13] =	ssyncadd.s32 $0xFFFFEC00  }
0x98: {  	[spmem:s3] =	stream.indirect.scatter.add.f32 [tilespmem:s16], [sflag:$0x2], $0x80, s28, s15, $0xb8;
	[tilespmem:$0x1F220] =	vst v63  }
0x99: {  	s29 =	sadd.s32 $0x2738, s24  }
0x9a: {  	[spmem:s3] =	stream.indirect.scatter.add.f32 [tilespmem:s17], [sflag:$0x2], $0x80, s29, s15, $0xb8;
	[tilespmem:$0x1F220] =	vst v63  }
0x9b: {  	s30 =	sadd.s32 $0x2760, s24  }
0x9c: {  	[spmem:s3] =	stream.indirect.scatter.add.f32 [tilespmem:s18], [sflag:$0x2], $0x80, s30, s15, $0xb8;
	[tilespmem:$0x1F220] =	vst v63  }
0x9d: {  	s31 =	sadd.s32 $0x2788, s24  }
0x9e: {  	[spmem:s3] =	stream.indirect.scatter.add.f32 [tilespmem:s19], [sflag:$0x2], $0x80, s31, s15, $0xb8;
	[tilespmem:$0x1F220] =	vst v63  }
0x9f: {  	s24 =	sadd.s32 $0x27B0, s24  }
0xa0: {  	[spmem:s3] =	stream.indirect.scatter.add.f32 [tilespmem:s20], [sflag:$0x2], $0x80, s24, s15, $0xb8;
	[tilespmem:$0x1F220] =	vst v63  }
0xa1: {  	_ =	swait.ge [sflag:s14], $0x1400  }
0xa2: {  	[sflag:s14] =	ssyncset.done $0x0  }
0xa3: {  	[sflag:s14] =	ssyncadd.s32 $0xFFFFEC00  }
0xa4: {  	_ =	swait.ge [sflag:s14], $0x1400  }
0xa5: {  	[sflag:s14] =	ssyncset.done $0x0  }
0xa6: {  	[sflag:s14] =	ssyncadd.s32 $0xFFFFEC00  }
0xa7: {  	_ =	swait.ge [sflag:s14], $0x1400  }
0xa8: {  	[sflag:s14] =	ssyncset.done $0x0  }
0xa9: {  	[sflag:s14] =	ssyncadd.s32 $0xFFFFEC00  }
0xaa: {  	_ =	swait.ge [sflag:s14], $0x1400  }
0xab: {  	[sflag:s14] =	ssyncset.done $0x0  }
0xac: {  	[sflag:s14] =	ssyncadd.s32 $0xFFFFEC00  }
0xad: {  	_ =	swait.ge [sflag:s14], $0x1400  }
0xae: {  	s23 =	sadd.s32 $0x1, s23;
	[sflag:s14] =	ssyncset.done $0x0  }
0xaf: {  	p0 =	sne.s32 s23, s10;
	[sflag:s14] =	ssyncadd.s32 $0xFFFFEC00  }
.Ltmp1:
0xb0: {  	[bflag:$0x0] =	sbarrier.arrive $0xFFFF;
	(pc) =	sbr.rel @p0 .LBB2_1-.Ltmp1, $4  }
0xb1: {  	[hbm:s9], [sflag:s21] =	dma.local [spmem:s12], $0x2800  }
0xb2: {  	_ =	swait.ge [sflag:s22], $0x2800  }
0xb3: {  	[sflag:s22] =	ssyncset.done $0x0  }
0xb4: {  	[sflag:s22] =	ssyncadd.s32 $0xFFFFD800  }
0xb5: {  	_ =	sfence.sel $0x180000  }
0xb6: {  	[bflag:$0x0] =	sbarrier.arrive $0xFFFF  }
0xb7: {  	p0 =	sne.s32 s0, $0x0;
	_ =	strace $0x9000004A  }
0xb8: {  	s0 =	sadd.s32 @!p0 $0x100000, s2;
	[bflag:$0x2] =	sbarrier.arrive $0xFFFF  }
0xb9: {  	[sflag:s0] =	ssyncadd.tile.s32 @!p0 $0x1;
	_ =	shalt  }
.Lfunc_end2:
_tile_overlayer_lowered:
.L_overlay_start_2:
0xba: {  	(tag) =	ssettag $0x2  }
0xbb: {  	s0 =	rddreg [dreg:$0x0];
	s2 =	stileid.u32  }
0xbc: {  	s1 =	rddreg [dreg:$0x1];
	p0 =	sne.s32 s2, $0x0  }
0xbd: {  	s3 =	rddreg [dreg:$0x2];
	[bflag:$0x3] =	sbarrier.arrive $0xFFFF;
	s2 =	simm.s32 @!p0 $0x1C03  }
0xbe: {  	[timem:s3], [sflag:s2] =	dma.local @!p0 [hbm:s0], s1  }
0xbf: {  	s0 =	simm.s32 @!p0 $0x3  }
0xc0: {  	_ =	swait.ge @!p0 [sflag:s0], s1  }
0xc1: {  	s1 =	ssub.s32 @!p0 $0x0, s1;
	[sflag:s0] =	ssyncset.done @!p0 $0x0  }
0xc2: {  	[sflag:s0] =	ssyncadd.s32 @!p0 s1  }
0xc3: {  	[bflag:$0x3] =	sbarrier.arrive $0xFFFF  }
0xc4: {  	_ =	shalt  }

// kernel: kernel.8.cloned.1.call-start
scs
__scs_entry_jumppad:
0x0: {  	(pc) =	sbr.rel $0x88, $3  }
0x1: {  	(tag) =	ssettag $0x0;
	lr =	simm.s32 $0x1  }
0x2: {  	[smem:$0x3F96] =	sst lr;
	_ =	strace $0xD0000000  }
0x3: {  	_ = 	snop  }
0x4: {  	_ = 	snop  }
0x5: {  	_ = 	snop  }
0x6: {  	_ = 	snop  }
0x7: {  	_ = 	snop  }
__scs_overlays_trampoline_lowered:
0x8: {  	[smem:$0x3FA5] =	sst s0  }
0x9: {  	[smem:$0x3FA6] =	sst s1  }
0xa: {  	[smem:$0x3FA7] =	sst s2  }
0xb: {  	[smem:$0x3FA8] =	sst s3  }
0xc: {  	[smem:$0x3FA9] =	sst s4  }
0xd: {  	[smem:$0x3FAA] =	sst s5  }
0xe: {  	[smem:$0x3FAB] =	sst s6  }
0xf: {  	[smem:$0x3FAC] =	sst s7  }
0x10: {  	[smem:$0x3FAD] =	sst s8  }
0x11: {  	[smem:$0x3FAE] =	sst s9;
	s0 =	simm.s32 @!p0 $0x0  }
0x12: {  	s1 =	sld [smem:$0x3F94];
	s0 =	simm.s32 @p0 $0x1  }
0x13: {  	[smem:$0x3FAF] =	sst s0;
	s0 =	simm.s32 @!p1 $0x0  }
0x14: {  	s2 =	sld [smem:$0x3F93];
	s0 =	simm.s32 @p1 $0x1  }
0x15: {  	[smem:$0x3FB0] =	sst s0;
	s0 =	simm.s32 @!p2 $0x0  }
0x16: {  	s3 =	sld [smem:$0x3FDB];
	s0 =	simm.s32 @p2 $0x1  }
0x17: {  	s4 =	simm.s32 $0x1BF5;
	[smem:$0x3FB2] =	sst s0  }
0x18: {  	s0 =	sld [smem:$0x3F95];
	_ =	swait.ge [sflag:s4], $0x0  }
0x19: {  	s7 =	sld [smem:$0x3F96]  }
0x1a: {  	s8 =	sadd.s32 $0xFFFFE003, lr  }
0x1b: {  	s9 =	sadd.s32 $0xFFFFFEF7, lr;
	s5 =	simm.s32 $0xFFFFFFFF;
	p2 =	slt.u32 s8, $0xFFFFF086  }
0x1c: {  	p1 =	slt.u32 s9, $0xF7A;
	s5 =	simm.s32 @!p2 $0x0  }
0x1d: {  	s5 =	simm.s32 @p1 $0x1;
	p0 =	seq.s32 s7, s2  }
0x1e: {  	s7 =	smul.u32 @!p0 $0xF7A, s2;
	p2 =	seq.s32 @!p0 s5, $0x0  }
0x1f: {  	s9 =	smul.u32 $0xF7A, s1;
	s8 =	simm.s32 @!p0 $0x1BF5;
	p2 =	por !p2, p0  }
0x20: {  	[sflag:s8] =	ssyncset.s32 @!p0 $0xFFFFF086;
	s6 =	sadd.s32 @!p0 s3, s7;
	s7 =	simm.s32 @!p0 $0x108  }
0x21: {  	s3 =	sadd.s32 s3, s9;
	s6 =	sadd.s32 @!p0 $0x88, s6;
	s7 =	simm.s32 @p2 $0x1082  }
0x22: {  	[simem:s7], [sflag:s8] =	dma.local @!p0 [hbm:s6], $0xF7A  }
0x23: {  	s9 =	sor.u32 $0xD0000000, s2;
	s6 =	simm.s32 $0x108;
	_ =	swait.ge @!p0 [sflag:s8], $0x0  }
0x24: {  	s3 =	sadd.s32 $0x88, s3;
	s6 =	simm.s32 @!p1 $0x1082;
	[sflag:s4] =	ssyncset.s32 $0xFFFFF086  }
0x25: {  	[simem:s6], [sflag:s4] =	dma.local [hbm:s3], $0xF7A  }
0x26: {  	[smem:$0x3F96] =	sst s1;
	(tag) =	ssettag s2;
	_ =	strace s9  }
0x27: {  	s1 =	sld [smem:$0x3FA6]  }
0x28: {  	s2 =	sld [smem:$0x3FA7]  }
0x29: {  	s4 =	sld [smem:$0x3FA9]  }
0x2a: {  	p0 =	seq.s32 s5, $0x0;
	s5 =	sld [smem:$0x3FAA]  }
0x2b: {  	s6 =	sld [smem:$0x3FAB]  }
0x2c: {  	s7 =	sld [smem:$0x3FAC]  }
0x2d: {  	s3 =	simm.s32 $0x108;
	s8 =	sld [smem:$0x3FAD]  }
0x2e: {  	s3 =	simm.s32 @!p0 $0x1082;
	s9 =	sld [smem:$0x3FAE]  }
0x2f: {  	lr =	sadd.s32 s0, s3;
	s0 =	sld [smem:$0x3FA5]  }
0x30: {  	s3 =	sld [smem:$0x3FA8]  }
0x31: {  	[smem:$0x3FB1] =	sst s10  }
0x32: {  	s10 =	sld [smem:$0x3FAF];
	_ =	sdelay $0x3  }
0x33: {  	p0 =	seq.s32 s10, $0x1;
	s10 =	sld [smem:$0x3FB1];
	_ =	sdelay $0x3  }
0x34: {  	[smem:$0x3FB1] =	sst s10  }
0x35: {  	s10 =	sld [smem:$0x3FB0];
	_ =	sdelay $0x3  }
0x36: {  	p1 =	seq.s32 s10, $0x1;
	s10 =	sld [smem:$0x3FB1];
	_ =	sdelay $0x3  }
0x37: {  	[smem:$0x3FB1] =	sst s10  }
0x38: {  	s10 =	sld [smem:$0x3FB2]  }
0x39: {  	_ = 	snop;
	(pc) =	sbr.ind lr, $3  }
0x3a: {  	_ = 	snop  }
0x3b: {  	_ = 	snop  }
0x3c: {  	p2 =	seq.s32 s10, $0x1;
	s10 =	sld [smem:$0x3FB1]  }
0x3d: {  	_ =	shalt  }
0x3e: {  	_ =	shalt  }
0x3f: {  	_ =	shalt  }
0x40: {  	_ =	shalt  }
0x41: {  	_ =	shalt  }
0x42: {  	_ =	shalt  }
0x43: {  	_ =	shalt  }
0x44: {  	_ =	shalt  }
0x45: {  	_ =	shalt  }
0x46: {  	_ =	shalt  }
0x47: {  	_ =	shalt  }
0x48: {  	_ =	shalt  }
0x49: {  	_ =	shalt  }
0x4a: {  	_ =	shalt  }
0x4b: {  	_ =	shalt  }
0x4c: {  	_ =	shalt  }
0x4d: {  	_ =	shalt  }
0x4e: {  	_ =	shalt  }
0x4f: {  	_ =	shalt  }
0x50: {  	_ =	shalt  }
0x51: {  	_ =	shalt  }
0x52: {  	_ =	shalt  }
0x53: {  	_ =	shalt  }
0x54: {  	_ =	shalt  }
0x55: {  	_ =	shalt  }
0x56: {  	_ =	shalt  }
0x57: {  	_ =	shalt  }
0x58: {  	_ =	shalt  }
0x59: {  	_ =	shalt  }
0x5a: {  	_ =	shalt  }
0x5b: {  	_ =	shalt  }
0x5c: {  	_ =	shalt  }
0x5d: {  	_ =	shalt  }
0x5e: {  	_ =	shalt  }
0x5f: {  	_ =	shalt  }
0x60: {  	_ =	shalt  }
0x61: {  	_ =	shalt  }
0x62: {  	_ =	shalt  }
0x63: {  	_ =	shalt  }
0x64: {  	_ =	shalt  }
0x65: {  	_ =	shalt  }
0x66: {  	_ =	shalt  }
0x67: {  	_ =	shalt  }
0x68: {  	_ =	shalt  }
0x69: {  	_ =	shalt  }
0x6a: {  	_ =	shalt  }
0x6b: {  	_ =	shalt  }
0x6c: {  	_ =	shalt  }
0x6d: {  	_ =	shalt  }
0x6e: {  	_ =	shalt  }
0x6f: {  	_ =	shalt  }
0x70: {  	_ =	shalt  }
0x71: {  	_ =	shalt  }
0x72: {  	_ =	shalt  }
0x73: {  	_ =	shalt  }
0x74: {  	_ =	shalt  }
0x75: {  	_ =	shalt  }
0x76: {  	_ =	shalt  }
0x77: {  	_ =	shalt  }
0x78: {  	_ =	shalt  }
0x79: {  	_ =	shalt  }
0x7a: {  	_ =	shalt  }
0x7b: {  	_ =	shalt  }
0x7c: {  	_ =	shalt  }
0x7d: {  	_ =	shalt  }
0x7e: {  	_ =	shalt  }
0x7f: {  	_ =	shalt  }
0x80: {  	_ =	shalt  }
0x81: {  	_ =	shalt  }
0x82: {  	_ =	shalt  }
0x83: {  	_ =	shalt  }
0x84: {  	_ =	shalt  }
0x85: {  	_ =	shalt  }
0x86: {  	_ =	shalt  }
0x87: {  	_ =	shalt  }
.Lfunc_end0:
.L_simem_size_0:
called_computation.1_lowered:
.L_overlay_start_0:
0x88: {  	s2 =	sld [smem:$0x3FD9]  }
0x89: {  	s3 =	sld [smem:$0x3FFE];
	_ =	sdelay $0x1  }
0x8a: {  	s1 =	srdreg.scid  }
0x8b: {  	s0 =	sand.u32 $0x1, s1  }
0x8c: {  	s17 =	sshll.u32 s0, $0xA;
	s2 =	sadd.s32 s3, s2  }
0x8d: {  	s2 =	sadd.s32 s2, s17  }
0x8e: {  	[smem:$0x3FBD] =	sst s2  }
0x8f: {  	_ = 	snop  }
0x90: {  	s2 =	sld [smem:$0x3FD0];
	(tm) =	ssettm $0x1  }
0x91: {  	s18 =	sld [smem:$0x3FFB];
	_ =	sdelay $0x3  }
0x92: {  	_ =	strace s18  }
0x93: {  	s3 =	sld [smem:$0x3FFC];
	_ =	sdelay $0x3  }
0x94: {  	_ =	strace s3  }
0x95: {  	s3 =	sld [smem:$0x3FFD];
	_ =	sdelay $0x3  }
0x96: {  	_ =	strace s3  }
0x97: {  	_ =	strace $0x8FFFFFFF  }
0x98: {  	s19 =	sld [smem:$0x3FDB];
	_ =	sdelay $0x1  }
0x99: {  	s4 =	simm.s32 $_scs_section_size  }
0x9a: {  	s5 =	simm.s32 $_size__tile_overlayer_lowered;
	s6 =	simm.s32 $_tile_overlayer_lowered  }
0x9b: {  	s22 =	simm.s32 $0x1BFF;
	s21 =	sshll.u32 s6, $0x1;
	s3 =	sadd.s32 s4, s19  }
0x9c: {  	s7 =	simm.s32 $0x0;
	s20 =	sshll.u32 s5, $0x1;
	s5 =	sadd.s32 s21, s3  }
0x9d: {  	[timem:s7], [sflag:s22] =	dma.local [hbm:s5], s20  }
0x9e: {  	_ =	swait.ge [sflag:s22], s20  }
0x9f: {  	s4 =	ssub.s32 $0x0, s20;
	[sflag:s22] =	ssyncset.done $0x0  }
0xa0: {  	[sflag:s22] =	ssyncadd.s32 s4;
	_ =	sdelay $0x1  }
0xa1: {  	s23 =	simm.s32 $0x1B8B  }
0xa2: {  	_ =	swait.ge [sflag:s23], $0x1  }
0xa3: {  	[sflag:s23] =	ssyncset.done $0x0  }
0xa4: {  	s25 =	simm.s32 $0x1B8E;
	s24 =	sld [smem:$0x3FFE];
	[sflag:s23] =	ssyncadd.s32 $0xFFFFFFFF  }
0xa5: {  	s26 =	simm.s32 $execute0_lowered;
	[smem:$0x3FD2] =	sst s25  }
0xa6: {  	s5 =	sshll.u32 s26, $0x1;
	_ =	strace $0x80000046;
	[dreg:$0x1] =	wrdreg $0xFFFFFFFF  }
0xa7: {  	s28 =	simm.s32 $_size_execute0_lowered;
	s3 =	sadd.s32 s3, s5;
	[dreg:$0x0] =	wrdreg $0x0  }
0xa8: {  	s5 =	sshll.u32 s28, $0x1;
	[dreg:$0x2] =	wrdreg s3  }
0xa9: {  	[dreg:$0x3] =	wrdreg s5  }
0xaa: {  	[dreg:$0x4] =	wrdreg $0xC0  }
0xab: {  	_ =	task [dreg:s7], $0x5FFFF  }
0xac: {  	[dreg:$0x1] =	wrdreg $0xFFFFFFFF  }
0xad: {  	[dreg:$0x0] =	wrdreg $0x60  }
0xae: {  	[dreg:$0x2] =	wrdreg s24  }
0xaf: {  	[dreg:$0x3] =	wrdreg s2  }
0xb0: {  	[dreg:$0x4] =	wrdreg $0x29900  }
0xb1: {  	[dreg:$0x5] =	wrdreg $0xA  }
0xb2: {  	_ =	task.clear_ibuf [dreg:s7], $0x6FFFF;
	_ =	strace $0x90000046  }
0xb3: {  	s29 =	simm.s32 $0xA;
	_ =	strace $0x80000048  }
0xb4: {  	_ =	swait.ge [sflag:s29], $0x1  }
0xb5: {  	[sflag:s29] =	ssyncadd.s32 $0xFFFFFFFF  }
0xb6: {  	_ =	strace $0x90000048  }
0xb7: {  	_ =	sfence  }
0xb8: {  	s30 =	sld [smem:$0x0];
	_ =	sdelay $0x2  }
0xb9: {  	s31 =	sshll.u32 s1, $0xD;
	s1 =	sshrl.u32 s1, $0x2  }
0xba: {  	s3 =	sand.u32 $0x4000, s31;
	s1 =	sadd.s32 s1, s30  }
0xbb: {  	s0 =	sor.u32 s3, s0;
	s1 =	sshll.u32 s1, $0x11  }
0xbc: {  	s0 =	sor.u32 s1, s0  }
0xbd: {  	s0 =	sadd.s32 $0x8F2B, s0  }
0xbe: {  	[sflag:s0] =	ssyncadd.remote.s32 $0x1  }
0xbf: {  	_ =	sfence.sel $0xFFFF  }
0xc0: {  	[dreg:$0x0] =	wrdreg $0xFFFFFFFF;
	(pc) =	sbr.abs _section_cstart, $3  }
0xc1: {  	[dreg:$0x1] =	wrdreg $0xFFFFFFFF  }
0xc2: {  	_ =	task.clear_ibuf [dreg:s7], $0x2FFFF;
	_ =	strace $0x9FFFFFFF  }
0xc3: {  	(tm) =	ssettm $0x7FFFFFFF  }
tec
execute0_lowered:
.L_overlay_start_1:
0x0: {  	(tag) =	ssettag $0x1  }
0x1: {  	s4 =	rddreg [dreg:$0x0]  }
0x2: {  	s0 =	srdreg.scid;
	s8 =	rddreg [dreg:$0x1]  }
0x3: {  	s2 =	rddreg [dreg:$0x2];
	s3 =	simm.s32 $0x0;
	s13 =	simm.s32 $0x2  }
0x4: {  	s14 =	simm.s32 $0x28;
	s16 =	simm.s32 $0x3;
	s17 =	simm.s32 $0x0  }
0x5: {  	s5 =	sand.u32 $0x1, s0;
	s0 =	stileid.u32;
	[smem:$0x7FF] =	sst s3  }
0x6: {  	s1 =	sshll.u32 s5, $0x4;
	s7 =	smul.u32 $0x2800, s0;
	s10 =	ssub.s32 $0x2, s5  }
0x7: {  	s11 =	smul.u32 $0x28000, s5;
	s15 =	sshll.u32 s0, $0x6;
	s6 =	sor.u32 s0, s1  }
0x8: {  	s1 =	rddreg [dreg:$0x3];
	_ =	strace $0x80000047;
	s29 =	sshrl.u32 s10, $0x1  }
0x9: {  	s6 =	smul.u32 $0x4E2, s6;
	s9 =	sshrl.u32 s7, $0x3;
	s10 =	ssub.s32 s10, s29  }
0xa: {  	s30 =	sadd.s32 s7, s11;
	s31 =	sadd.s32 s7, s2;
	s7 =	sor.u32 $0x1C02, s15  }
0xb: {  	s15 =	sor.u32 $0x1C03, s15;
	s9 =	sadd.s32 s9, s4;
	s12 =	sshrl.u32 s30, $0x3  }
0xc: {  	s11 =	sshrl.u32 s31, $0x3;
	s6 =	sadd.s32 s6, s4;
	s4 =	sadd.s32 $0x1A800, s4  }
0xd: {  	s8 =	sadd.s32 s8, s12;
	s12 =	simm.s32 $0x1;
	s5 =	sadd.s32 $0x1C00, s6  }
0xe: {  	s6 =	sadd.s32 $0x15800, s9;
	s9 =	smax.u32 s10, $0x1;
	s10 =	simm.s32 $0x2710  }
.LBB2_1:
0xf: {  	[tilespmem:s3], [sflag:$0x1] =	stream.linear.gather [hbm4b:s5+s3], $0x2710, $0x38;
	[tilespmem:$0x5190] =	vst v63  }
0x10: {  	_ = 	snop  }
0x11: {  	[tilespmem:s10], [sflag:$0x1] =	stream.linear.gather [hbm4b:s4+s3], $0x280, $0x38;
	[tilespmem:$0x5190] =	vst v63  }
0x12: {  	[spmem:s11], [sflag:s7] =	dma.local [hbm:s6], $0x500  }
0x13: {  	_ =	swait.ge [sflag:s12], $0x2710  }
0x14: {  	[sflag:s12] =	ssyncset.done $0x0  }
0x15: {  	[sflag:s12] =	ssyncadd.s32 $0xFFFFD8F0  }
0x16: {  	_ =	swait.ge [sflag:s12], $0x280  }
0x17: {  	[sflag:s12] =	ssyncset.done $0x0  }
0x18: {  	[sflag:s12] =	ssyncadd.s32 $0xFFFFFD80  }
0x19: {  	_ =	swait.ge [sflag:s13], $0x500  }
0x1a: {  	[sflag:s13] =	ssyncset.done $0x0  }
0x1b: {  	[sflag:s13] =	ssyncadd.s32 $0xFFFFFB00  }
0x1c: {  	s18 =	simm.s32 $0x0;
	[bflag:$0x0] =	sbarrier.arrive $0xFFFF  }
0x1d: {  	[spmem:s2] =	stream.indirect.scatter.add.f32 [tilespmem:s10], [sflag:$0x2], $0x10, s18, s14, $0xb8;
	[tilespmem:$0x5190] =	vst v63  }
0x1e: {  	s28 =	simm.s32 $0x28  }
0x1f: {  	[spmem:s2] =	stream.indirect.scatter.add.f32 [tilespmem:s10], [sflag:$0x2], $0x10, s28, s14, $0xb8;
	[tilespmem:$0x5190] =	vst v63  }
0x20: {  	s29 =	simm.s32 $0x50  }
0x21: {  	[spmem:s2] =	stream.indirect.scatter.add.f32 [tilespmem:s10], [sflag:$0x2], $0x10, s29, s14, $0xb8;
	[tilespmem:$0x5190] =	vst v63  }
0x22: {  	s30 =	simm.s32 $0x78  }
0x23: {  	[spmem:s2] =	stream.indirect.scatter.add.f32 [tilespmem:s10], [sflag:$0x2], $0x10, s30, s14, $0xb8;
	[tilespmem:$0x5190] =	vst v63  }
0x24: {  	s31 =	simm.s32 $0xA0  }
0x25: {  	[spmem:s2] =	stream.indirect.scatter.add.f32 [tilespmem:s10], [sflag:$0x2], $0x10, s31, s14, $0xb8;
	[tilespmem:$0x5190] =	vst v63  }
0x26: {  	_ =	swait.ge [sflag:s13], $0x280  }
0x27: {  	[sflag:s13] =	ssyncset.done $0x0  }
0x28: {  	[sflag:s13] =	ssyncadd.s32 $0xFFFFFD80  }
0x29: {  	_ =	swait.ge [sflag:s13], $0x280  }
0x2a: {  	[sflag:s13] =	ssyncset.done $0x0  }
0x2b: {  	[sflag:s13] =	ssyncadd.s32 $0xFFFFFD80  }
0x2c: {  	_ =	swait.ge [sflag:s13], $0x280  }
0x2d: {  	[sflag:s13] =	ssyncset.done $0x0  }
0x2e: {  	[sflag:s13] =	ssyncadd.s32 $0xFFFFFD80  }
0x2f: {  	_ =	swait.ge [sflag:s13], $0x280  }
0x30: {  	[sflag:s13] =	ssyncset.done $0x0  }
0x31: {  	[sflag:s13] =	ssyncadd.s32 $0xFFFFFD80  }
0x32: {  	_ =	swait.ge [sflag:s13], $0x280  }
0x33: {  	s19 =	simm.s32 $0x640;
	s18 =	simm.s32 $0x320;
	[sflag:s13] =	ssyncset.done $0x0  }
.LBB2_2:
0x34: {  	s20 =	sshra.s32 s18, $0x2  }
0x35: {  	[sflag:s13] =	ssyncadd.s32 $0xFFFFFD80;
	s18 =	smov.u32 s19;
	s21 =	sadd.s32 $0x320, s19  }
0x36: {  	[spmem:s2] =	stream.indirect.scatter.add.f32 [tilespmem:s10], [sflag:$0x2], $0x10, s20, s14, $0xb8;
	[tilespmem:$0x5190] =	vst v63  }
0x37: {  	p0 =	sne.s32 s19, $0x9920;
	s19 =	sadd.s32 $0x28, s20  }
0x38: {  	[spmem:s2] =	stream.indirect.scatter.add.f32 [tilespmem:s10], [sflag:$0x2], $0x10, s19, s14, $0xb8;
	[tilespmem:$0x5190] =	vst v63  }
0x39: {  	s19 =	sadd.s32 $0x50, s20  }
0x3a: {  	[spmem:s2] =	stream.indirect.scatter.add.f32 [tilespmem:s10], [sflag:$0x2], $0x10, s19, s14, $0xb8;
	[tilespmem:$0x5190] =	vst v63  }
0x3b: {  	s19 =	sadd.s32 $0x78, s20  }
0x3c: {  	[spmem:s2] =	stream.indirect.scatter.add.f32 [tilespmem:s10], [sflag:$0x2], $0x10, s19, s14, $0xb8;
	[tilespmem:$0x5190] =	vst v63  }
0x3d: {  	s19 =	sadd.s32 $0xA0, s20  }
0x3e: {  	[spmem:s2] =	stream.indirect.scatter.add.f32 [tilespmem:s10], [sflag:$0x2], $0x10, s19, s14, $0xb8;
	[tilespmem:$0x5190] =	vst v63  }
0x3f: {  	_ =	swait.ge [sflag:s13], $0x280  }
0x40: {  	[sflag:s13] =	ssyncset.done $0x0  }
0x41: {  	[sflag:s13] =	ssyncadd.s32 $0xFFFFFD80  }
0x42: {  	_ =	swait.ge [sflag:s13], $0x280  }
0x43: {  	[sflag:s13] =	ssyncset.done $0x0  }
0x44: {  	[sflag:s13] =	ssyncadd.s32 $0xFFFFFD80  }
0x45: {  	_ =	swait.ge [sflag:s13], $0x280  }
0x46: {  	[sflag:s13] =	ssyncset.done $0x0  }
0x47: {  	[sflag:s13] =	ssyncadd.s32 $0xFFFFFD80  }
.Ltmp0:
0x48: {  	_ =	swait.ge [sflag:s13], $0x280;
	(pc) =	sbr.rel @p0 .LBB2_2-.Ltmp0, $4  }
0x49: {  	[sflag:s13] =	ssyncset.done $0x0  }
0x4a: {  	[sflag:s13] =	ssyncadd.s32 $0xFFFFFD80  }
0x4b: {  	_ =	swait.ge [sflag:s13], $0x280  }
0x4c: {  	s19 =	smov.u32 s21;
	[sflag:s13] =	ssyncset.done $0x0  }
0x4d: {  	s18 =	sshra.s32 s18, $0x2;
	[sflag:s13] =	ssyncadd.s32 $0xFFFFFD80  }
0x4e: {  	[spmem:s2] =	stream.indirect.scatter.add.f32 [tilespmem:s10], [sflag:$0x2], $0x10, s18, s14, $0xb8;
	[tilespmem:$0x5190] =	vst v63  }
0x4f: {  	s19 =	sadd.s32 $0x28, s18  }
0x50: {  	[spmem:s2] =	stream.indirect.scatter.add.f32 [tilespmem:s10], [sflag:$0x2], $0x10, s19, s14, $0xb8;
	[tilespmem:$0x5190] =	vst v63  }
0x51: {  	s30 =	sadd.s32 $0x50, s18  }
0x52: {  	[spmem:s2] =	stream.indirect.scatter.add.f32 [tilespmem:s10], [sflag:$0x2], $0x10, s30, s14, $0xb8;
	[tilespmem:$0x5190] =	vst v63  }
0x53: {  	s31 =	sadd.s32 $0x78, s18  }
0x54: {  	[spmem:s2] =	stream.indirect.scatter.add.f32 [tilespmem:s10], [sflag:$0x2], $0x10, s31, s14, $0xb8;
	[tilespmem:$0x5190] =	vst v63  }
0x55: {  	s18 =	sadd.s32 $0xA0, s18  }
0x56: {  	[spmem:s2] =	stream.indirect.scatter.add.f32 [tilespmem:s10], [sflag:$0x2], $0x10, s18, s14, $0xb8;
	[tilespmem:$0x5190] =	vst v63  }
0x57: {  	_ =	swait.ge [sflag:s13], $0x280  }
0x58: {  	[sflag:s13] =	ssyncset.done $0x0  }
0x59: {  	[sflag:s13] =	ssyncadd.s32 $0xFFFFFD80  }
0x5a: {  	_ =	swait.ge [sflag:s13], $0x280  }
0x5b: {  	[sflag:s13] =	ssyncset.done $0x0  }
0x5c: {  	[sflag:s13] =	ssyncadd.s32 $0xFFFFFD80  }
0x5d: {  	_ =	swait.ge [sflag:s13], $0x280  }
0x5e: {  	[sflag:s13] =	ssyncset.done $0x0  }
0x5f: {  	[sflag:s13] =	ssyncadd.s32 $0xFFFFFD80  }
0x60: {  	_ =	swait.ge [sflag:s13], $0x280  }
0x61: {  	[sflag:s13] =	ssyncset.done $0x0  }
0x62: {  	[sflag:s13] =	ssyncadd.s32 $0xFFFFFD80  }
0x63: {  	_ =	swait.ge [sflag:s13], $0x280  }
0x64: {  	s17 =	sadd.s32 $0x1, s17;
	[sflag:s13] =	ssyncset.done $0x0  }
0x65: {  	p0 =	sne.s32 s17, s9;
	[sflag:s13] =	ssyncadd.s32 $0xFFFFFD80  }
.Ltmp1:
0x66: {  	[bflag:$0x0] =	sbarrier.arrive $0xFFFF;
	(pc) =	sbr.rel @p0 .LBB2_1-.Ltmp1, $4  }
0x67: {  	[hbm:s8], [sflag:s15] =	dma.local [spmem:s11], $0x500  }
0x68: {  	_ =	swait.ge [sflag:s16], $0x500  }
0x69: {  	[sflag:s16] =	ssyncset.done $0x0  }
0x6a: {  	[sflag:s16] =	ssyncadd.s32 $0xFFFFFB00  }
0x6b: {  	_ =	sfence.sel $0x180000  }
0x6c: {  	[bflag:$0x0] =	sbarrier.arrive $0xFFFF  }
0x6d: {  	p0 =	sne.s32 s0, $0x0;
	_ =	strace $0x90000047  }
0x6e: {  	s0 =	sadd.s32 @!p0 $0x100000, s1;
	[bflag:$0x2] =	sbarrier.arrive $0xFFFF  }
0x6f: {  	[sflag:s0] =	ssyncadd.tile.s32 @!p0 $0x1;
	_ =	shalt  }
.Lfunc_end2:
_tile_overlayer_lowered:
.L_overlay_start_2:
0x70: {  	(tag) =	ssettag $0x2  }
0x71: {  	s0 =	rddreg [dreg:$0x0];
	s2 =	stileid.u32  }
0x72: {  	s1 =	rddreg [dreg:$0x1];
	p0 =	sne.s32 s2, $0x0  }
0x73: {  	s3 =	rddreg [dreg:$0x2];
	[bflag:$0x3] =	sbarrier.arrive $0xFFFF;
	s2 =	simm.s32 @!p0 $0x1C03  }
0x74: {  	[timem:s3], [sflag:s2] =	dma.local @!p0 [hbm:s0], s1  }
0x75: {  	s0 =	simm.s32 @!p0 $0x3  }
0x76: {  	_ =	swait.ge @!p0 [sflag:s0], s1  }
0x77: {  	s1 =	ssub.s32 @!p0 $0x0, s1;
	[sflag:s0] =	ssyncset.done @!p0 $0x0  }
0x78: {  	[sflag:s0] =	ssyncadd.s32 @!p0 s1  }
0x79: {  	[bflag:$0x3] =	sbarrier.arrive $0xFFFF  }
0x7a: {  	_ =	shalt  }

</sc_bundles>
